<compile_context>
chip_gen: v7x
topology: tpu7x:2x2x1
jax: 0.10.2.dev20260603
libtpu: 0.0.44.dev20260713+nightly
codegen_flags: <defaults>
</compile_context>

<pallas_src>
import functools

import jax
import jax.numpy as jnp
import numpy as np
from jax import lax
from jax.experimental import pallas as pl
from jax.experimental.pallas import tpu as pltpu
from jax.experimental.pallas import tpu_sc as plsc

N = 10000
E = 320000
D = 128
H = 8
HD = 16
K = 1.0

NC = 2
NS = 16
NW = NC * NS
EPW = E // NW
EB = 40
NB = EPW // EB
QW = 144
KVW = 272
AW = 144

RB = 400
EBB = 8000


def _tables_body(x_ref, wq_ref, bq_ref, wk_ref, bk_ref, wv_ref, bv_ref,
                 mh_ref, q_ref, kv_ref):
    xb = x_ref[...]
    mh = mh_ref[...]
    z8 = jnp.zeros((xb.shape[0], 8), jnp.float32)

    sq = jnp.dot(xb, wq_ref[...], preferred_element_type=jnp.float32) + bq_ref[...]
    tq = jnp.sqrt(jnp.dot(sq * sq, mh, preferred_element_type=jnp.float32) + K)
    q_ref[...] = jnp.concatenate([-tq, sq, z8], axis=1)

    sk = jnp.dot(xb, wk_ref[...], preferred_element_type=jnp.float32) + bk_ref[...]
    tk = jnp.sqrt(jnp.dot(sk * sk, mh, preferred_element_type=jnp.float32) + K)
    sv = jnp.dot(xb, wv_ref[...], preferred_element_type=jnp.float32) + bv_ref[...]
    tv = jnp.sqrt(jnp.dot(sv * sv, mh, preferred_element_type=jnp.float32) + K)
    kv_ref[...] = jnp.concatenate([tk, sk, tv, sv], axis=1)


def _edge_bias_body(ef_ref, we_ref, eb_ref):
    eb_ref[...] = jnp.dot(ef_ref[...], we_ref[...],
                          preferred_element_type=jnp.float32)


def _final_body(a_ref, b_ref, msign_ref, perm_ref, wo0_ref, wos_ref, bo_ref,
                out_ref):
    acc = a_ref[...] + b_ref[...]
    den = acc[:, 0:8]
    s = acc[:, 8:AW]
    r = 1.0 / (den + 1e-16)
    agg = s * jnp.concatenate([r] * 17, axis=1)
    inner = jnp.dot(agg * agg, msign_ref[...], preferred_element_type=jnp.float32)
    dn = jnp.sqrt(jnp.clip(jnp.abs(inner), 1e-8, None))
    rdn = np.float32(np.sqrt(K)) / dn
    mid_space = agg[:, 8:136] * jnp.concatenate([rdn] * 16, axis=1)
    out_space = jnp.dot(mid_space, perm_ref[...], preferred_element_type=jnp.float32)
    ot = jnp.sqrt(jnp.sum(out_space * out_space, axis=1, keepdims=True) + K)
    o_space = (jnp.dot(out_space, wos_ref[...], preferred_element_type=jnp.float32)
               + ot * wo0_ref[...] + bo_ref[...])
    o_time = jnp.sqrt(jnp.sum(o_space * o_space, axis=1, keepdims=True) + K)
    out_ref[...] = jnp.concatenate([o_time, o_space], axis=1)


GB = 8
NG = (NB + GB - 1) // GB


def _sc_edge_kernel(qtab, kvtab, src2d, dst2d, eb, zrows):
    mesh = plsc.VectorSubcoreMesh(core_axis_name="c", subcore_axis_name="s")

    @functools.partial(
        pl.kernel,
        out_type=jax.ShapeDtypeStruct((2 * N, AW), jnp.float32),
        mesh=mesh,
        scratch_types=[
            pltpu.VMEM((2, EB, QW), jnp.float32),
            pltpu.VMEM((2, EB, KVW), jnp.float32),
            pltpu.VMEM((2, EB, 8), jnp.float32),
            pltpu.VMEM((EB, AW), jnp.float32),
            pltpu.VMEM((2, GB, EB), jnp.int32),
            pltpu.VMEM((2, GB, EB), jnp.int32),
            pltpu.VMEM_SHARED((N, AW), jnp.float32),
            pltpu.SemaphoreType.DMA,
            pltpu.SemaphoreType.DMA,
            pltpu.SemaphoreType.DMA,
        ],
        compiler_params=pltpu.CompilerParams(use_tc_tiling_on_sc=False,
                                             needs_layout_passes=False),
    )
    def body(qtab_hbm, kvtab_hbm, src_hbm, dst_hbm, eb_hbm, z_hbm, out_hbm,
             qbufs, kvbufs, ebbufs, msgbuf, srcg, dstg, shared,
             semG, semI, semS):
        cid = lax.axis_index("c")
        sid = lax.axis_index("s")
        wid = cid * NS + sid
        wrow = wid * NB
        webase = wid * EPW

        @pl.when(sid < NS - 1)
        def _():
            pltpu.sync_copy(z_hbm.at[pl.ds(0, 624)],
                            shared.at[pl.ds(sid * 624, 624)])

        @pl.when(sid == NS - 1)
        def _():
            pltpu.sync_copy(z_hbm, shared.at[pl.ds(9360, 640)])

        plsc.subcore_barrier()

        lane = lax.iota(jnp.int32, 16)
        hvec = jnp.bitwise_and(lane, 7)
        half = lax.shift_right_logical(lane, 3)

        def fire_gathers(i, slot):
            g = lax.shift_right_logical(i, 3)
            j = jnp.bitwise_and(i, 7)
            gp = jnp.bitwise_and(g, 1)
            pltpu.async_copy(qtab_hbm.at[dstg.at[gp, j]], qbufs.at[slot], semG)
            pltpu.async_copy(kvtab_hbm.at[srcg.at[gp, j]], kvbufs.at[slot], semG)
            pltpu.async_copy(eb_hbm.at[pl.ds(webase + i * EB, EB)],
                             ebbufs.at[slot], semG)

        def wait_gathers(i, slot):
            g = lax.shift_right_logical(i, 3)
            j = jnp.bitwise_and(i, 7)
            gp = jnp.bitwise_and(g, 1)
            pltpu.make_async_copy(qtab_hbm.at[dstg.at[gp, j]], qbufs.at[slot],
                                  semG).wait()
            pltpu.make_async_copy(kvtab_hbm.at[srcg.at[gp, j]], kvbufs.at[slot],
                                  semG).wait()
            pltpu.make_async_copy(eb_hbm.at[pl.ds(webase + i * EB, EB)],
                                  ebbufs.at[slot], semG).wait()

        pltpu.sync_copy(src_hbm.at[pl.ds(wrow, GB)], srcg.at[0])
        pltpu.sync_copy(dst_hbm.at[pl.ds(wrow, GB)], dstg.at[0])
        fire_gathers(jnp.int32(0), jnp.int32(0))

        def batch_body(i, carry):
            b = jnp.bitwise_and(i, 1)
            g = lax.shift_right_logical(i, 3)
            j = jnp.bitwise_and(i, 7)
            gp = jnp.bitwise_and(g, 1)

            @pl.when(i > 0)
            def _():
                im = i - 1
                gm = jnp.bitwise_and(lax.shift_right_logical(im, 3), 1)
                jm = jnp.bitwise_and(im, 7)
                pltpu.make_async_copy(msgbuf, shared.at[dstg.at[gm, jm]],
                                      semS).wait()

            @pl.when(jnp.logical_and(j == 0, g < NG - 1))
            def _():
                row1 = wrow + (g + 1) * GB
                pltpu.async_copy(src_hbm.at[pl.ds(row1, GB)],
                                 srcg.at[1 - gp], semI)
                pltpu.async_copy(dst_hbm.at[pl.ds(row1, GB)],
                                 dstg.at[1 - gp], semI)

            wait_gathers(i, b)

            @pl.when(i < NB - 1)
            def _():
                @pl.when(jnp.logical_and(j == 7, g < NG - 1))
                def _():
                    row1 = wrow + (g + 1) * GB
                    pltpu.make_async_copy(src_hbm.at[pl.ds(row1, GB)],
                                          srcg.at[1 - gp], semI).wait()
                    pltpu.make_async_copy(dst_hbm.at[pl.ds(row1, GB)],
                                          dstg.at[1 - gp], semI).wait()
                fire_gathers(i + 1, 1 - b)

            qb = qbufs.at[b]
            kb = kvbufs.at[b]
            ebb = ebbufs.at[b]

            def pair_body(p, carry2):
                rowv = 2 * p + half
                acc = jnp.zeros((16,), jnp.float32)
                for d in range(HD + 1):
                    col = 8 * d + hvec
                    qv = plsc.load_gather(qb, [rowv, col])
                    kv = plsc.load_gather(kb, [rowv, col])
                    acc = acc + qv * kv
                ebv = plsc.load_gather(ebb, [rowv, hvec])
                ex = jnp.exp(acc * 0.5 + (ebv + 0.5))
                plsc.store_scatter(msgbuf, [rowv, hvec], ex)
                for d in range(HD + 1):
                    vv = plsc.load_gather(kb, [rowv, 136 + 8 * d + hvec])
                    plsc.store_scatter(msgbuf, [rowv, 8 + 8 * d + hvec], ex * vv)
                return carry2

            lax.fori_loop(0, EB // 2, pair_body, 0, unroll=False)

            pltpu.async_copy(msgbuf, shared.at[dstg.at[gp, j]], semS, add=True)
            return carry

        lax.fori_loop(0, NB, batch_body, 0, unroll=False)

        pltpu.make_async_copy(msgbuf, shared.at[dstg.at[(NG - 1) & 1,
                                                        (NB - 1) & 7]],
                              semS).wait()
        plsc.subcore_barrier()

        @pl.when(sid < NS - 1)
        def _():
            pltpu.sync_copy(shared.at[pl.ds(sid * 624, 624)],
                            out_hbm.at[pl.ds(cid * N + sid * 624, 624)])

        @pl.when(sid == NS - 1)
        def _():
            pltpu.sync_copy(shared.at[pl.ds(9360, 640)],
                            out_hbm.at[pl.ds(cid * N + 9360, 640)])

    return body(qtab, kvtab, src2d, dst2d, eb, zrows)


def kernel(x, edge_index, edge_feats, Wq, bq, Wk, bk, Wv, bv, Wo, bo, We):
    src2d = jnp.pad(edge_index[0].reshape(E // EB, EB), ((0, GB), (0, 0)))
    dst2d = jnp.pad(edge_index[1].reshape(E // EB, EB), ((0, GB), (0, 0)))

    def perm_w(W, b):
        return (W.transpose(1, 0, 2).reshape(H * HD, D + 1).T,
                b.T.reshape(1, H * HD))

    wqp, bqp = perm_w(Wq, bq)
    wkp, bkp = perm_w(Wk, bk)
    wvp, bvp = perm_w(Wv, bv)

    ch = np.arange(H * HD)
    mh = np.zeros((H * HD, H), np.float32)
    mh[ch, ch % 8] = 1.0
    mh = jnp.asarray(mh)

    ca = np.arange(AW - 8)
    msign = np.zeros((AW - 8, H), np.float32)
    msign[ca, ca % 8] = np.where(ca < 8, -1.0, 1.0)
    msign = jnp.asarray(msign)

    cp = np.arange(H * HD)
    perm = np.zeros((H * HD, H * HD), np.float32)
    perm[cp, (cp % 8) * 16 + cp // 8] = 1.0
    perm = jnp.asarray(perm)

    wot = Wo.T
    wo0 = wot[0:1, :]
    wos = wot[1:, :]
    bo2 = bo.reshape(1, D)
    zrows = jnp.zeros((640, AW), jnp.float32)

    nb = N // RB
    full = lambda *s: pl.BlockSpec(s, lambda i: tuple(0 for _ in s))

    qtab, kvtab = pl.pallas_call(
        _tables_body,
        grid=(nb,),
        in_specs=[
            pl.BlockSpec((RB, D + 1), lambda i: (i, 0)),
            full(D + 1, H * HD), full(1, H * HD),
            full(D + 1, H * HD), full(1, H * HD),
            full(D + 1, H * HD), full(1, H * HD),
            full(H * HD, H),
        ],
        out_specs=[
            pl.BlockSpec((RB, QW), lambda i: (i, 0)),
            pl.BlockSpec((RB, KVW), lambda i: (i, 0)),
        ],
        out_shape=[
            jax.ShapeDtypeStruct((N, QW), jnp.float32),
            jax.ShapeDtypeStruct((N, KVW), jnp.float32),
        ],
    )(x, wqp, bqp, wkp, bkp, wvp, bvp, mh)

    eb = pl.pallas_call(
        _edge_bias_body,
        grid=(E // EBB,),
        in_specs=[
            pl.BlockSpec((EBB, We.shape[1]), lambda i: (i, 0)),
            full(We.shape[1], H),
        ],
        out_specs=pl.BlockSpec((EBB, H), lambda i: (i, 0)),
        out_shape=jax.ShapeDtypeStruct((E, H), jnp.float32),
    )(edge_feats, We.T)

    acc2 = _sc_edge_kernel(qtab, kvtab, src2d, dst2d, eb, zrows)
    acc_a = acc2[0:N]
    acc_b = acc2[N:2 * N]

    out = pl.pallas_call(
        _final_body,
        grid=(nb,),
        in_specs=[
            pl.BlockSpec((RB, AW), lambda i: (i, 0)),
            pl.BlockSpec((RB, AW), lambda i: (i, 0)),
            full(AW - 8, H),
            full(H * HD, H * HD),
            full(1, D), full(D, D), full(1, D),
        ],
        out_specs=pl.BlockSpec((RB, D + 1), lambda i: (i, 0)),
        out_shape=jax.ShapeDtypeStruct((N, D + 1), jnp.float32),
    )(acc_a, acc_b, msign, perm, wo0, wos, bo2)

    return out

# --- scband reference (transcript-rebuilt; emitter-appended) ---
"""Pipeline reference for scband-hyperbolic-transformer-layer-19516331393624 (READ-ONLY COPY).

The authoritative reference and input builder live on the scoring server;
editing this copy changes nothing except your own understanding.
"""

import jax, jax.numpy as jnp
import numpy as np

N = 10000
E = 320000
D = 128
H = 8
HD = 16
ED = 16
K = 1.0

def setup_inputs(seed: int = 0):
    key = jax.random.key(seed)
    ks = jax.random.split(key, 12)
    x = jax.random.normal(ks[0], (N, D + 1), dtype=jnp.float32)
    edge_index = jax.random.randint(ks[1], (2, E), 0, N, dtype=jnp.int32)
    edge_feats = jax.random.normal(ks[2], (E, ED), dtype=jnp.float32)
    s_in = 1.0 / np.sqrt(D + 1)
    Wq = jax.random.normal(ks[3], (H, HD, D + 1), dtype=jnp.float32) * s_in
    bq = jax.random.normal(ks[4], (H, HD), dtype=jnp.float32) * s_in
    Wk = jax.random.normal(ks[5], (H, HD, D + 1), dtype=jnp.float32) * s_in
    bk = jax.random.normal(ks[6], (H, HD), dtype=jnp.float32) * s_in
    Wv = jax.random.normal(ks[7], (H, HD, D + 1), dtype=jnp.float32) * s_in
    bv = jax.random.normal(ks[8], (H, HD), dtype=jnp.float32) * s_in
    Wo = jax.random.normal(ks[9], (D, D + 1), dtype=jnp.float32) * s_in
    bo = jax.random.normal(ks[10], (D,), dtype=jnp.float32) * s_in
    We = jax.random.normal(ks[11], (H, ED), dtype=jnp.float32) * (1.0 / np.sqrt(ED))
    return {'x': x, 'edge_index': edge_index, 'edge_feats': edge_feats, 'Wq': Wq, 'bq': bq, 'Wk': Wk, 'bk': bk, 'Wv': Wv, 'bv': bv, 'Wo': Wo, 'bo': bo, 'We': We}

def _hyp_heads(x, W, b):
    s = jnp.einsum('nd,hod->nho', x, W) + b
    t = jnp.sqrt(jnp.sum(s * s, axis=-1, keepdims=True) + K)
    return jnp.concatenate([t, s], axis=-1)

def reference(x, edge_index, edge_feats, Wq, bq, Wk, bk, Wv, bv, Wo, bo, We):
    src = edge_index[0]
    dst = edge_index[1]
    n = x.shape[0]
    q = _hyp_heads(x, Wq, bq)
    k = _hyp_heads(x, Wk, bk)
    v = _hyp_heads(x, Wv, bv)
    qd = q[dst]
    ksrc = k[src]
    cin = -qd[..., 0] * ksrc[..., 0] + jnp.sum(qd[..., 1:] * ksrc[..., 1:], axis=-1)
    scores = (2.0 + 2.0 * cin) / np.sqrt(HD)
    scores = scores + edge_feats @ We.T
    smax = jax.ops.segment_max(scores, dst, num_segments=n)
    smax = jnp.where(jnp.isfinite(smax), smax, 0.0)
    ex = jnp.exp(scores - smax[dst])
    den = jax.ops.segment_sum(ex, dst, num_segments=n)
    attn = ex / (den[dst] + 1e-16)
    msg = attn[..., None] * v[src]
    agg = jax.ops.segment_sum(msg, dst, num_segments=n)
    inner = -agg[..., 0] ** 2 + jnp.sum(agg[..., 1:] ** 2, axis=-1)
    dn = jnp.sqrt(jnp.clip(jnp.abs(inner), 1e-8, None))
    mid = np.sqrt(K) * agg / dn[..., None]
    out_space = mid[..., 1:].reshape(n, D)
    out_time = jnp.sqrt(jnp.sum(out_space ** 2, axis=-1, keepdims=True) + K)
    out = jnp.concatenate([out_time, out_space], axis=-1)
    o_space = out @ Wo.T + bo
    o_time = jnp.sqrt(jnp.sum(o_space ** 2, axis=-1, keepdims=True) + K)
    return jnp.concatenate([o_time, o_space], axis=-1)

if __name__ == "__main__":
    import jax
    _d = setup_inputs()
    print(jax.jit(kernel)(*tuple(_d.values())))

</pallas_src>

<mosaic_0001>
#map = affine_map<(d0, d1) -> (0, 0)>
module attributes {stable_mosaic.version = 14 : i64} {
  func.func @body(%arg0: i32, %arg1: i32, %arg2: memref<10000x144xf32, #tpu.memory_space<hbm>>, %arg3: memref<10000x272xf32, #tpu.memory_space<hbm>>, %arg4: memref<8008x40xi32, #tpu.memory_space<hbm>>, %arg5: memref<8008x40xi32, #tpu.memory_space<hbm>>, %arg6: memref<320000x8xf32, #tpu.memory_space<hbm>>, %arg7: memref<640x144xf32, #tpu.memory_space<hbm>>, %arg8: memref<20000x144xf32, #tpu.memory_space<hbm>>, %arg9: memref<2x40x144xf32, #tpu.memory_space<vmem>>, %arg10: memref<2x40x272xf32, #tpu.memory_space<vmem>>, %arg11: memref<2x40x8xf32, #tpu.memory_space<vmem>>, %arg12: memref<40x144xf32, #tpu.memory_space<vmem>>, %arg13: memref<2x8x40xi32, #tpu.memory_space<vmem>>, %arg14: memref<2x8x40xi32, #tpu.memory_space<vmem>>, %arg15: memref<10000x144xf32, #tpu.memory_space<vmem_shared>>, %arg16: memref<!tpu.dma_semaphore, #tpu.memory_space<semaphore_mem>>, %arg17: memref<!tpu.dma_semaphore, #tpu.memory_space<semaphore_mem>>, %arg18: memref<!tpu.dma_semaphore, #tpu.memory_space<semaphore_mem>>) attributes {dimension_semantics = [#tpu.dimension_semantics<core_parallel>, #tpu.dimension_semantics<subcore_parallel>], iteration_bounds = array<i64: 2, 16>, scalar_prefetch = 0 : i64, scratch_operands = 10 : i64, tpu.core_type = #tpu.core_type<sc_vector_subcore>, window_params = [{transform_indices = #map}, {transform_indices = #map}, {transform_indices = #map}, {transform_indices = #map}, {transform_indices = #map}, {transform_indices = #map}, {transform_indices = #map}]} {
    %mul3A = arith.constant 16 : i32
    %mul3A_0 = arith.muli %arg0, %mul3A : i32
    %add3A = arith.addi %mul3A_0, %arg1 : i32
    %mul3A_1 = arith.constant 250 : i32
    %mul3A_2 = arith.muli %add3A, %mul3A_1 : i32
    %mul3A_3 = arith.constant 10000 : i32
    %mul3A_4 = arith.muli %add3A, %mul3A_3 : i32
    %lt3A = arith.constant 15 : i32
    %lt3A_5 = arith.cmpi slt, %arg1, %lt3A : i32
    %convert_element_type3A = arith.extui %lt3A_5 : i1 to i32
    %cond3A = arith.constant 0 : i32
    %cond3A_6 = arith.cmpi ne, %convert_element_type3A, %cond3A : i32
    scf.if %cond3A_6 {
      %mul3A_85 = arith.constant 624 : i32
      %mul3A_86 = arith.muli %arg1, %mul3A_85 : i32
      "tpu.region"() ({
        %run_scoped3A_87 = tpu.sem_alloc : memref<!tpu.dma_semaphore, #tpu.memory_space<semaphore_mem>>
        %dma_start3A_88 = arith.constant 0 : i32
        %dma_start3A_89 = tpu.memref_slice %arg15[%mul3A_86, %dma_start3A_88] : memref<10000x144xf32, #tpu.memory_space<vmem_shared>> -> memref<624x144xf32, #tpu.memory_space<vmem_shared>>
        %dma_start3A_90 = arith.constant 0 : i32
        %dma_start3A_91 = arith.constant 0 : i32
        %dma_start3A_92 = tpu.memref_slice %arg7[%dma_start3A_90, %dma_start3A_91] : memref<640x144xf32, #tpu.memory_space<hbm>> -> memref<624x144xf32, #tpu.memory_space<hbm>>
        tpu.enqueue_dma source(%dma_start3A_92 : memref<624x144xf32, #tpu.memory_space<hbm>>) target(%dma_start3A_89 : memref<624x144xf32, #tpu.memory_space<vmem_shared>>) target_semaphore(%run_scoped3A_87 : memref<!tpu.dma_semaphore, #tpu.memory_space<semaphore_mem>>)
        %dma_wait3A_93 = arith.constant 0 : i32
        %dma_wait3A_94 = tpu.memref_slice %arg15[%mul3A_86, %dma_wait3A_93] : memref<10000x144xf32, #tpu.memory_space<vmem_shared>> -> memref<624x144xf32, #tpu.memory_space<vmem_shared>>
        %dma_wait3A_95 = arith.constant 0 : i32
        %dma_wait3A_96 = arith.constant 0 : i32
        %dma_wait3A_97 = tpu.memref_slice %arg7[%dma_wait3A_95, %dma_wait3A_96] : memref<640x144xf32, #tpu.memory_space<hbm>> -> memref<624x144xf32, #tpu.memory_space<hbm>>
        tpu.wait_dma2 semaphore(%run_scoped3A_87 : memref<!tpu.dma_semaphore, #tpu.memory_space<semaphore_mem>>) src(%dma_wait3A_97 : memref<624x144xf32, #tpu.memory_space<hbm>>) dst(%dma_wait3A_94 : memref<624x144xf32, #tpu.memory_space<vmem_shared>>)
        tpu.yield
      }) : () -> ()
    } else {
    }
    %eq3A = arith.constant 15 : i32
    %eq3A_7 = arith.cmpi eq, %arg1, %eq3A : i32
    %convert_element_type3A_8 = arith.extui %eq3A_7 : i1 to i32
    %cond3A_9 = arith.constant 0 : i32
    %cond3A_10 = arith.cmpi ne, %convert_element_type3A_8, %cond3A_9 : i32
    scf.if %cond3A_10 {
      "tpu.region"() ({
        %run_scoped3A_85 = tpu.sem_alloc : memref<!tpu.dma_semaphore, #tpu.memory_space<semaphore_mem>>
        %dma_start3A_86 = arith.constant 9360 : i32
        %dma_start3A_87 = arith.constant 0 : i32
        %dma_start3A_88 = tpu.memref_slice %arg15[%dma_start3A_86, %dma_start3A_87] : memref<10000x144xf32, #tpu.memory_space<vmem_shared>> -> memref<640x144xf32, #tpu.memory_space<vmem_shared>>
        tpu.enqueue_dma source(%arg7 : memref<640x144xf32, #tpu.memory_space<hbm>>) target(%dma_start3A_88 : memref<640x144xf32, #tpu.memory_space<vmem_shared>>) target_semaphore(%run_scoped3A_85 : memref<!tpu.dma_semaphore, #tpu.memory_space<semaphore_mem>>)
        %dma_wait3A_89 = arith.constant 9360 : i32
        %dma_wait3A_90 = arith.constant 0 : i32
        %dma_wait3A_91 = tpu.memref_slice %arg15[%dma_wait3A_89, %dma_wait3A_90] : memref<10000x144xf32, #tpu.memory_space<vmem_shared>> -> memref<640x144xf32, #tpu.memory_space<vmem_shared>>
        tpu.wait_dma2 semaphore(%run_scoped3A_85 : memref<!tpu.dma_semaphore, #tpu.memory_space<semaphore_mem>>) src(%arg7 : memref<640x144xf32, #tpu.memory_space<hbm>>) dst(%dma_wait3A_91 : memref<640x144xf32, #tpu.memory_space<vmem_shared>>)
        tpu.yield
      }) : () -> ()
    } else {
    }
    %barrier3A = arith.constant 0 : index
    tpu.barrier barrier_id(%barrier3A)
    %iota3A = tpu.iota {dimensions = array<i32: 0>} : vector<16xi32>
    %and3A = arith.constant 7 : i32
    %and3A_11 = vector.broadcast %and3A : i32 to vector<16xi32>
    %and3A_12 = arith.andi %iota3A, %and3A_11 : vector<16xi32>
    %shift_right_logical3A = arith.constant 3 : i32
    %shift_right_logical3A_13 = vector.broadcast %shift_right_logical3A : i32 to vector<16xi32>
    %shift_right_logical3A_14 = arith.shrui %iota3A, %shift_right_logical3A_13 : vector<16xi32>
    %run_scoped3A = arith.constant 0 : i32
    "tpu.region"() ({
      %run_scoped3A_85 = tpu.sem_alloc : memref<!tpu.dma_semaphore, #tpu.memory_space<semaphore_mem>>
      %dma_start3A_86 = arith.constant 0 : i32
      %dma_start3A_87 = arith.constant 0 : i32
      %dma_start3A_88 = tpu.memref_slice %arg13[%run_scoped3A, %dma_start3A_86, %dma_start3A_87] : memref<2x8x40xi32, #tpu.memory_space<vmem>> -> memref<1x8x40xi32, #tpu.memory_space<vmem>>
      %dma_start3A_89 = tpu.memref_squeeze %dma_start3A_88 : memref<1x8x40xi32, #tpu.memory_space<vmem>> -> memref<8x40xi32, #tpu.memory_space<vmem>>
      %dma_start3A_90 = arith.constant 0 : i32
      %dma_start3A_91 = tpu.memref_slice %arg4[%mul3A_2, %dma_start3A_90] : memref<8008x40xi32, #tpu.memory_space<hbm>> -> memref<8x40xi32, #tpu.memory_space<hbm>>
      %dma_start3A_92 = arith.constant 0 : i32
      %dma_start3A_93 = arith.constant 0 : i32
      %dma_start3A_94 = tpu.memref_slice %arg13[%run_scoped3A, %dma_start3A_92, %dma_start3A_93] : memref<2x8x40xi32, #tpu.memory_space<vmem>> -> memref<1x8x40xi32, #tpu.memory_space<vmem>>
      %dma_start3A_95 = tpu.memref_squeeze %dma_start3A_94 : memref<1x8x40xi32, #tpu.memory_space<vmem>> -> memref<8x40xi32, #tpu.memory_space<vmem>>
      %dma_start3A_96 = arith.constant 0 : i32
      %dma_start3A_97 = tpu.memref_slice %arg4[%mul3A_2, %dma_start3A_96] : memref<8008x40xi32, #tpu.memory_space<hbm>> -> memref<8x40xi32, #tpu.memory_space<hbm>>
      tpu.enqueue_dma source(%dma_start3A_97 : memref<8x40xi32, #tpu.memory_space<hbm>>) target(%dma_start3A_95 : memref<8x40xi32, #tpu.memory_space<vmem>>) target_semaphore(%run_scoped3A_85 : memref<!tpu.dma_semaphore, #tpu.memory_space<semaphore_mem>>)
      %dma_wait3A_98 = arith.constant 0 : i32
      %dma_wait3A_99 = arith.constant 0 : i32
      %dma_wait3A_100 = tpu.memref_slice %arg13[%run_scoped3A, %dma_wait3A_98, %dma_wait3A_99] : memref<2x8x40xi32, #tpu.memory_space<vmem>> -> memref<1x8x40xi32, #tpu.memory_space<vmem>>
      %dma_wait3A_101 = tpu.memref_squeeze %dma_wait3A_100 : memref<1x8x40xi32, #tpu.memory_space<vmem>> -> memref<8x40xi32, #tpu.memory_space<vmem>>
      %dma_wait3A_102 = arith.constant 0 : i32
      %dma_wait3A_103 = tpu.memref_slice %arg4[%mul3A_2, %dma_wait3A_102] : memref<8008x40xi32, #tpu.memory_space<hbm>> -> memref<8x40xi32, #tpu.memory_space<hbm>>
      %dma_wait3A_104 = arith.constant 0 : i32
      %dma_wait3A_105 = arith.constant 0 : i32
      %dma_wait3A_106 = tpu.memref_slice %arg13[%run_scoped3A, %dma_wait3A_104, %dma_wait3A_105] : memref<2x8x40xi32, #tpu.memory_space<vmem>> -> memref<1x8x40xi32, #tpu.memory_space<vmem>>
      %dma_wait3A_107 = tpu.memref_squeeze %dma_wait3A_106 : memref<1x8x40xi32, #tpu.memory_space<vmem>> -> memref<8x40xi32, #tpu.memory_space<vmem>>
      %dma_wait3A_108 = arith.constant 0 : i32
      %dma_wait3A_109 = tpu.memref_slice %arg4[%mul3A_2, %dma_wait3A_108] : memref<8008x40xi32, #tpu.memory_space<hbm>> -> memref<8x40xi32, #tpu.memory_space<hbm>>
      tpu.wait_dma2 semaphore(%run_scoped3A_85 : memref<!tpu.dma_semaphore, #tpu.memory_space<semaphore_mem>>) src(%dma_wait3A_109 : memref<8x40xi32, #tpu.memory_space<hbm>>) dst(%dma_wait3A_107 : memref<8x40xi32, #tpu.memory_space<vmem>>)
      tpu.yield
    }) : () -> ()
    %run_scoped3A_15 = arith.constant 0 : i32
    "tpu.region"() ({
      %run_scoped3A_85 = tpu.sem_alloc : memref<!tpu.dma_semaphore, #tpu.memory_space<semaphore_mem>>
      %dma_start3A_86 = arith.constant 0 : i32
      %dma_start3A_87 = arith.constant 0 : i32
      %dma_start3A_88 = tpu.memref_slice %arg14[%run_scoped3A_15, %dma_start3A_86, %dma_start3A_87] : memref<2x8x40xi32, #tpu.memory_space<vmem>> -> memref<1x8x40xi32, #tpu.memory_space<vmem>>
      %dma_start3A_89 = tpu.memref_squeeze %dma_start3A_88 : memref<1x8x40xi32, #tpu.memory_space<vmem>> -> memref<8x40xi32, #tpu.memory_space<vmem>>
      %dma_start3A_90 = arith.constant 0 : i32
      %dma_start3A_91 = tpu.memref_slice %arg5[%mul3A_2, %dma_start3A_90] : memref<8008x40xi32, #tpu.memory_space<hbm>> -> memref<8x40xi32, #tpu.memory_space<hbm>>
      %dma_start3A_92 = arith.constant 0 : i32
      %dma_start3A_93 = arith.constant 0 : i32
      %dma_start3A_94 = tpu.memref_slice %arg14[%run_scoped3A_15, %dma_start3A_92, %dma_start3A_93] : memref<2x8x40xi32, #tpu.memory_space<vmem>> -> memref<1x8x40xi32, #tpu.memory_space<vmem>>
      %dma_start3A_95 = tpu.memref_squeeze %dma_start3A_94 : memref<1x8x40xi32, #tpu.memory_space<vmem>> -> memref<8x40xi32, #tpu.memory_space<vmem>>
      %dma_start3A_96 = arith.constant 0 : i32
      %dma_start3A_97 = tpu.memref_slice %arg5[%mul3A_2, %dma_start3A_96] : memref<8008x40xi32, #tpu.memory_space<hbm>> -> memref<8x40xi32, #tpu.memory_space<hbm>>
      tpu.enqueue_dma source(%dma_start3A_97 : memref<8x40xi32, #tpu.memory_space<hbm>>) target(%dma_start3A_95 : memref<8x40xi32, #tpu.memory_space<vmem>>) target_semaphore(%run_scoped3A_85 : memref<!tpu.dma_semaphore, #tpu.memory_space<semaphore_mem>>)
      %dma_wait3A_98 = arith.constant 0 : i32
      %dma_wait3A_99 = arith.constant 0 : i32
      %dma_wait3A_100 = tpu.memref_slice %arg14[%run_scoped3A_15, %dma_wait3A_98, %dma_wait3A_99] : memref<2x8x40xi32, #tpu.memory_space<vmem>> -> memref<1x8x40xi32, #tpu.memory_space<vmem>>
      %dma_wait3A_101 = tpu.memref_squeeze %dma_wait3A_100 : memref<1x8x40xi32, #tpu.memory_space<vmem>> -> memref<8x40xi32, #tpu.memory_space<vmem>>
      %dma_wait3A_102 = arith.constant 0 : i32
      %dma_wait3A_103 = tpu.memref_slice %arg5[%mul3A_2, %dma_wait3A_102] : memref<8008x40xi32, #tpu.memory_space<hbm>> -> memref<8x40xi32, #tpu.memory_space<hbm>>
      %dma_wait3A_104 = arith.constant 0 : i32
      %dma_wait3A_105 = arith.constant 0 : i32
      %dma_wait3A_106 = tpu.memref_slice %arg14[%run_scoped3A_15, %dma_wait3A_104, %dma_wait3A_105] : memref<2x8x40xi32, #tpu.memory_space<vmem>> -> memref<1x8x40xi32, #tpu.memory_space<vmem>>
      %dma_wait3A_107 = tpu.memref_squeeze %dma_wait3A_106 : memref<1x8x40xi32, #tpu.memory_space<vmem>> -> memref<8x40xi32, #tpu.memory_space<vmem>>
      %dma_wait3A_108 = arith.constant 0 : i32
      %dma_wait3A_109 = tpu.memref_slice %arg5[%mul3A_2, %dma_wait3A_108] : memref<8008x40xi32, #tpu.memory_space<hbm>> -> memref<8x40xi32, #tpu.memory_space<hbm>>
      tpu.wait_dma2 semaphore(%run_scoped3A_85 : memref<!tpu.dma_semaphore, #tpu.memory_space<semaphore_mem>>) src(%dma_wait3A_109 : memref<8x40xi32, #tpu.memory_space<hbm>>) dst(%dma_wait3A_107 : memref<8x40xi32, #tpu.memory_space<vmem>>)
      tpu.yield
    }) : () -> ()
    %shift_right_logical3A_16 = arith.constant 0 : i32
    %shift_right_logical3A_17 = arith.constant 3 : i32
    %shift_right_logical3A_18 = arith.shrui %shift_right_logical3A_16, %shift_right_logical3A_17 : i32
    %and3A_19 = arith.constant 0 : i32
    %and3A_20 = arith.constant 7 : i32
    %and3A_21 = arith.andi %and3A_19, %and3A_20 : i32
    %and3A_22 = arith.constant 1 : i32
    %and3A_23 = arith.andi %shift_right_logical3A_18, %and3A_22 : i32
    %dma_start3A = arith.constant 0 : i32
    %dma_start3A_24 = arith.constant 0 : i32
    %dma_start3A_25 = arith.constant 0 : i32
    %dma_start3A_26 = tpu.memref_slice %arg9[%dma_start3A, %dma_start3A_24, %dma_start3A_25] : memref<2x40x144xf32, #tpu.memory_space<vmem>> -> memref<1x40x144xf32, #tpu.memory_space<vmem>>
    %dma_start3A_27 = tpu.memref_squeeze %dma_start3A_26 : memref<1x40x144xf32, #tpu.memory_space<vmem>> -> memref<40x144xf32, #tpu.memory_space<vmem>>
    %dma_start3A_28 = arith.constant 0 : i32
    %dma_start3A_29 = tpu.memref_slice %arg14[%and3A_23, %and3A_21, %dma_start3A_28] : memref<2x8x40xi32, #tpu.memory_space<vmem>> -> memref<1x1x40xi32, #tpu.memory_space<vmem>>
    %dma_start3A_30 = tpu.memref_squeeze %dma_start3A_29 : memref<1x1x40xi32, #tpu.memory_space<vmem>> -> memref<40xi32, #tpu.memory_space<vmem>>
    %dma_start3A_31 = arith.constant 0 : i32
    %dma_start3A_32 = arith.constant 0 : i32
    %dma_start3A_33 = tpu.memref_slice %arg2[%dma_start3A_31, %dma_start3A_32] : memref<10000x144xf32, #tpu.memory_space<hbm>> -> memref<10000x144xf32, #tpu.memory_space<hbm>>
    tpu.enqueue_indirect_dma source(%dma_start3A_33 : memref<10000x144xf32, #tpu.memory_space<hbm>>) target(%dma_start3A_27 : memref<40x144xf32, #tpu.memory_space<vmem>>) offsets(%dma_start3A_30 : memref<40xi32, #tpu.memory_space<vmem>>) semaphore(%arg16 : memref<!tpu.dma_semaphore, #tpu.memory_space<semaphore_mem>>)
    %dma_start3A_34 = arith.constant 0 : i32
    %dma_start3A_35 = arith.constant 0 : i32
    %dma_start3A_36 = arith.constant 0 : i32
    %dma_start3A_37 = tpu.memref_slice %arg10[%dma_start3A_34, %dma_start3A_35, %dma_start3A_36] : memref<2x40x272xf32, #tpu.memory_space<vmem>> -> memref<1x40x272xf32, #tpu.memory_space<vmem>>
    %dma_start3A_38 = tpu.memref_squeeze %dma_start3A_37 : memref<1x40x272xf32, #tpu.memory_space<vmem>> -> memref<40x272xf32, #tpu.memory_space<vmem>>
    %dma_start3A_39 = arith.constant 0 : i32
    %dma_start3A_40 = tpu.memref_slice %arg13[%and3A_23, %and3A_21, %dma_start3A_39] : memref<2x8x40xi32, #tpu.memory_space<vmem>> -> memref<1x1x40xi32, #tpu.memory_space<vmem>>
    %dma_start3A_41 = tpu.memref_squeeze %dma_start3A_40 : memref<1x1x40xi32, #tpu.memory_space<vmem>> -> memref<40xi32, #tpu.memory_space<vmem>>
    %dma_start3A_42 = arith.constant 0 : i32
    %dma_start3A_43 = arith.constant 0 : i32
    %dma_start3A_44 = tpu.memref_slice %arg3[%dma_start3A_42, %dma_start3A_43] : memref<10000x272xf32, #tpu.memory_space<hbm>> -> memref<10000x272xf32, #tpu.memory_space<hbm>>
    tpu.enqueue_indirect_dma source(%dma_start3A_44 : memref<10000x272xf32, #tpu.memory_space<hbm>>) target(%dma_start3A_38 : memref<40x272xf32, #tpu.memory_space<vmem>>) offsets(%dma_start3A_41 : memref<40xi32, #tpu.memory_space<vmem>>) semaphore(%arg16 : memref<!tpu.dma_semaphore, #tpu.memory_space<semaphore_mem>>)
    %mul3A_45 = arith.constant 0 : i32
    %mul3A_46 = arith.constant 40 : i32
    %mul3A_47 = arith.muli %mul3A_45, %mul3A_46 : i32
    %add3A_48 = arith.addi %mul3A_4, %mul3A_47 : i32
    %dma_start3A_49 = arith.constant 0 : i32
    %dma_start3A_50 = arith.constant 0 : i32
    %dma_start3A_51 = arith.constant 0 : i32
    %dma_start3A_52 = tpu.memref_slice %arg11[%dma_start3A_49, %dma_start3A_50, %dma_start3A_51] : memref<2x40x8xf32, #tpu.memory_space<vmem>> -> memref<1x40x8xf32, #tpu.memory_space<vmem>>
    %dma_start3A_53 = tpu.memref_squeeze %dma_start3A_52 : memref<1x40x8xf32, #tpu.memory_space<vmem>> -> memref<40x8xf32, #tpu.memory_space<vmem>>
    %dma_start3A_54 = arith.constant 0 : i32
    %dma_start3A_55 = tpu.memref_slice %arg6[%add3A_48, %dma_start3A_54] : memref<320000x8xf32, #tpu.memory_space<hbm>> -> memref<40x8xf32, #tpu.memory_space<hbm>>
    %dma_start3A_56 = arith.constant 0 : i32
    %dma_start3A_57 = arith.constant 0 : i32
    %dma_start3A_58 = tpu.memref_slice %arg11[%dma_start3A_49, %dma_start3A_56, %dma_start3A_57] : memref<2x40x8xf32, #tpu.memory_space<vmem>> -> memref<1x40x8xf32, #tpu.memory_space<vmem>>
    %dma_start3A_59 = tpu.memref_squeeze %dma_start3A_58 : memref<1x40x8xf32, #tpu.memory_space<vmem>> -> memref<40x8xf32, #tpu.memory_space<vmem>>
    %dma_start3A_60 = arith.constant 0 : i32
    %dma_start3A_61 = tpu.memref_slice %arg6[%add3A_48, %dma_start3A_60] : memref<320000x8xf32, #tpu.memory_space<hbm>> -> memref<40x8xf32, #tpu.memory_space<hbm>>
    tpu.enqueue_dma source(%dma_start3A_61 : memref<40x8xf32, #tpu.memory_space<hbm>>) target(%dma_start3A_59 : memref<40x8xf32, #tpu.memory_space<vmem>>) target_semaphore(%arg16 : memref<!tpu.dma_semaphore, #tpu.memory_space<semaphore_mem>>)
    %scan3A = arith.constant 0 : i32
    %scan3A_62 = arith.constant 0 : i32
    %scan3A_63 = arith.constant 250 : i32
    %scan3A_64 = arith.addi %scan3A_62, %scan3A_63 : i32
    %scan3A_65 = arith.constant 1 : i32
    scf.for %scan3A_85 = %scan3A_62 to %scan3A_64 step %scan3A_65  : i32 {
      %and3A_86 = arith.constant 1 : i32
      %and3A_87 = arith.andi %scan3A_85, %and3A_86 : i32
      %shift_right_logical3A_88 = arith.constant 3 : i32
      %shift_right_logical3A_89 = arith.shrui %scan3A_85, %shift_right_logical3A_88 : i32
      %and3A_90 = arith.constant 7 : i32
      %and3A_91 = arith.andi %scan3A_85, %and3A_90 : i32
      %and3A_92 = arith.constant 1 : i32
      %and3A_93 = arith.andi %shift_right_logical3A_89, %and3A_92 : i32
      %gt3A = arith.constant 0 : i32
      %gt3A_94 = arith.cmpi sgt, %scan3A_85, %gt3A : i32
      %convert_element_type3A_95 = arith.extui %gt3A_94 : i1 to i32
      %cond3A_96 = arith.constant 0 : i32
      %cond3A_97 = arith.cmpi ne, %convert_element_type3A_95, %cond3A_96 : i32
      scf.if %cond3A_97 {
        %sub3A = arith.constant 1 : i32
        %sub3A_164 = arith.subi %scan3A_85, %sub3A : i32
        %shift_right_logical3A_165 = arith.constant 3 : i32
        %shift_right_logical3A_166 = arith.shrui %sub3A_164, %shift_right_logical3A_165 : i32
        %and3A_167 = arith.constant 1 : i32
        %and3A_168 = arith.andi %shift_right_logical3A_166, %and3A_167 : i32
        %and3A_169 = arith.constant 7 : i32
        %and3A_170 = arith.andi %sub3A_164, %and3A_169 : i32
        %dma_wait3A_171 = arith.constant 0 : i32
        %dma_wait3A_172 = tpu.memref_slice %arg14[%and3A_168, %and3A_170, %dma_wait3A_171] : memref<2x8x40xi32, #tpu.memory_space<vmem>> -> memref<1x1x40xi32, #tpu.memory_space<vmem>>
        %dma_wait3A_173 = tpu.memref_squeeze %dma_wait3A_172 : memref<1x1x40xi32, #tpu.memory_space<vmem>> -> memref<40xi32, #tpu.memory_space<vmem>>
        %dma_wait3A_174 = arith.constant 0 : i32
        %dma_wait3A_175 = arith.constant 0 : i32
        %dma_wait3A_176 = tpu.memref_slice %arg15[%dma_wait3A_174, %dma_wait3A_175] : memref<10000x144xf32, #tpu.memory_space<vmem_shared>> -> memref<10000x144xf32, #tpu.memory_space<vmem_shared>>
        tpu.wait_indirect_dma semaphore(%arg18 : memref<!tpu.dma_semaphore, #tpu.memory_space<semaphore_mem>>) src(%arg12 : memref<40x144xf32, #tpu.memory_space<vmem>>) dst(%dma_wait3A_176 : memref<10000x144xf32, #tpu.memory_space<vmem_shared>>)
      } else {
      }
      %eq3A_98 = arith.constant 0 : i32
      %eq3A_99 = arith.cmpi eq, %and3A_91, %eq3A_98 : i32
      %lt3A_100 = arith.constant 31 : i32
      %lt3A_101 = arith.cmpi slt, %shift_right_logical3A_89, %lt3A_100 : i32
      %and3A_102 = arith.andi %eq3A_99, %lt3A_101 : i1
      %convert_element_type3A_103 = arith.extui %and3A_102 : i1 to i32
      %cond3A_104 = arith.constant 0 : i32
      %cond3A_105 = arith.cmpi ne, %convert_element_type3A_103, %cond3A_104 : i32
      scf.if %cond3A_105 {
        %add3A_164 = arith.constant 1 : i32
        %add3A_165 = arith.addi %shift_right_logical3A_89, %add3A_164 : i32
        %mul3A_166 = arith.constant 8 : i32
        %mul3A_167 = arith.muli %add3A_165, %mul3A_166 : i32
        %add3A_168 = arith.addi %mul3A_2, %mul3A_167 : i32
        %sub3A = arith.constant 1 : i32
        %sub3A_169 = arith.subi %sub3A, %and3A_93 : i32
        %dma_start3A_170 = arith.constant 0 : i32
        %dma_start3A_171 = arith.constant 0 : i32
        %dma_start3A_172 = tpu.memref_slice %arg13[%sub3A_169, %dma_start3A_170, %dma_start3A_171] : memref<2x8x40xi32, #tpu.memory_space<vmem>> -> memref<1x8x40xi32, #tpu.memory_space<vmem>>
        %dma_start3A_173 = tpu.memref_squeeze %dma_start3A_172 : memref<1x8x40xi32, #tpu.memory_space<vmem>> -> memref<8x40xi32, #tpu.memory_space<vmem>>
        %dma_start3A_174 = arith.constant 0 : i32
        %dma_start3A_175 = tpu.memref_slice %arg4[%add3A_168, %dma_start3A_174] : memref<8008x40xi32, #tpu.memory_space<hbm>> -> memref<8x40xi32, #tpu.memory_space<hbm>>
        %dma_start3A_176 = arith.constant 0 : i32
        %dma_start3A_177 = arith.constant 0 : i32
        %dma_start3A_178 = tpu.memref_slice %arg13[%sub3A_169, %dma_start3A_176, %dma_start3A_177] : memref<2x8x40xi32, #tpu.memory_space<vmem>> -> memref<1x8x40xi32, #tpu.memory_space<vmem>>
        %dma_start3A_179 = tpu.memref_squeeze %dma_start3A_178 : memref<1x8x40xi32, #tpu.memory_space<vmem>> -> memref<8x40xi32, #tpu.memory_space<vmem>>
        %dma_start3A_180 = arith.constant 0 : i32
        %dma_start3A_181 = tpu.memref_slice %arg4[%add3A_168, %dma_start3A_180] : memref<8008x40xi32, #tpu.memory_space<hbm>> -> memref<8x40xi32, #tpu.memory_space<hbm>>
        tpu.enqueue_dma source(%dma_start3A_181 : memref<8x40xi32, #tpu.memory_space<hbm>>) target(%dma_start3A_179 : memref<8x40xi32, #tpu.memory_space<vmem>>) target_semaphore(%arg17 : memref<!tpu.dma_semaphore, #tpu.memory_space<semaphore_mem>>)
        %sub3A_182 = arith.constant 1 : i32
        %sub3A_183 = arith.subi %sub3A_182, %and3A_93 : i32
        %dma_start3A_184 = arith.constant 0 : i32
        %dma_start3A_185 = arith.constant 0 : i32
        %dma_start3A_186 = tpu.memref_slice %arg14[%sub3A_183, %dma_start3A_184, %dma_start3A_185] : memref<2x8x40xi32, #tpu.memory_space<vmem>> -> memref<1x8x40xi32, #tpu.memory_space<vmem>>
        %dma_start3A_187 = tpu.memref_squeeze %dma_start3A_186 : memref<1x8x40xi32, #tpu.memory_space<vmem>> -> memref<8x40xi32, #tpu.memory_space<vmem>>
        %dma_start3A_188 = arith.constant 0 : i32
        %dma_start3A_189 = tpu.memref_slice %arg5[%add3A_168, %dma_start3A_188] : memref<8008x40xi32, #tpu.memory_space<hbm>> -> memref<8x40xi32, #tpu.memory_space<hbm>>
        %dma_start3A_190 = arith.constant 0 : i32
        %dma_start3A_191 = arith.constant 0 : i32
        %dma_start3A_192 = tpu.memref_slice %arg14[%sub3A_183, %dma_start3A_190, %dma_start3A_191] : memref<2x8x40xi32, #tpu.memory_space<vmem>> -> memref<1x8x40xi32, #tpu.memory_space<vmem>>
        %dma_start3A_193 = tpu.memref_squeeze %dma_start3A_192 : memref<1x8x40xi32, #tpu.memory_space<vmem>> -> memref<8x40xi32, #tpu.memory_space<vmem>>
        %dma_start3A_194 = arith.constant 0 : i32
        %dma_start3A_195 = tpu.memref_slice %arg5[%add3A_168, %dma_start3A_194] : memref<8008x40xi32, #tpu.memory_space<hbm>> -> memref<8x40xi32, #tpu.memory_space<hbm>>
        tpu.enqueue_dma source(%dma_start3A_195 : memref<8x40xi32, #tpu.memory_space<hbm>>) target(%dma_start3A_193 : memref<8x40xi32, #tpu.memory_space<vmem>>) target_semaphore(%arg17 : memref<!tpu.dma_semaphore, #tpu.memory_space<semaphore_mem>>)
      } else {
      }
      %shift_right_logical3A_106 = arith.constant 3 : i32
      %shift_right_logical3A_107 = arith.shrui %scan3A_85, %shift_right_logical3A_106 : i32
      %and3A_108 = arith.constant 7 : i32
      %and3A_109 = arith.andi %scan3A_85, %and3A_108 : i32
      %and3A_110 = arith.constant 1 : i32
      %and3A_111 = arith.andi %shift_right_logical3A_107, %and3A_110 : i32
      %dma_wait3A_112 = arith.constant 0 : i32
      %dma_wait3A_113 = arith.constant 0 : i32
      %dma_wait3A_114 = tpu.memref_slice %arg9[%and3A_87, %dma_wait3A_112, %dma_wait3A_113] : memref<2x40x144xf32, #tpu.memory_space<vmem>> -> memref<1x40x144xf32, #tpu.memory_space<vmem>>
      %dma_wait3A_115 = tpu.memref_squeeze %dma_wait3A_114 : memref<1x40x144xf32, #tpu.memory_space<vmem>> -> memref<40x144xf32, #tpu.memory_space<vmem>>
      %dma_wait3A_116 = arith.constant 0 : i32
      %dma_wait3A_117 = tpu.memref_slice %arg14[%and3A_111, %and3A_109, %dma_wait3A_116] : memref<2x8x40xi32, #tpu.memory_space<vmem>> -> memref<1x1x40xi32, #tpu.memory_space<vmem>>
      %dma_wait3A_118 = tpu.memref_squeeze %dma_wait3A_117 : memref<1x1x40xi32, #tpu.memory_space<vmem>> -> memref<40xi32, #tpu.memory_space<vmem>>
      %dma_wait3A_119 = arith.constant 0 : i32
      %dma_wait3A_120 = arith.constant 0 : i32
      %dma_wait3A_121 = tpu.memref_slice %arg2[%dma_wait3A_119, %dma_wait3A_120] : memref<10000x144xf32, #tpu.memory_space<hbm>> -> memref<10000x144xf32, #tpu.memory_space<hbm>>
      tpu.wait_indirect_dma semaphore(%arg16 : memref<!tpu.dma_semaphore, #tpu.memory_space<semaphore_mem>>) src(%dma_wait3A_121 : memref<10000x144xf32, #tpu.memory_space<hbm>>) dst(%dma_wait3A_115 : memref<40x144xf32, #tpu.memory_space<vmem>>)
      %dma_wait3A_122 = arith.constant 0 : i32
      %dma_wait3A_123 = arith.constant 0 : i32
      %dma_wait3A_124 = tpu.memref_slice %arg10[%and3A_87, %dma_wait3A_122, %dma_wait3A_123] : memref<2x40x272xf32, #tpu.memory_space<vmem>> -> memref<1x40x272xf32, #tpu.memory_space<vmem>>
      %dma_wait3A_125 = tpu.memref_squeeze %dma_wait3A_124 : memref<1x40x272xf32, #tpu.memory_space<vmem>> -> memref<40x272xf32, #tpu.memory_space<vmem>>
      %dma_wait3A_126 = arith.constant 0 : i32
      %dma_wait3A_127 = tpu.memref_slice %arg13[%and3A_111, %and3A_109, %dma_wait3A_126] : memref<2x8x40xi32, #tpu.memory_space<vmem>> -> memref<1x1x40xi32, #tpu.memory_space<vmem>>
      %dma_wait3A_128 = tpu.memref_squeeze %dma_wait3A_127 : memref<1x1x40xi32, #tpu.memory_space<vmem>> -> memref<40xi32, #tpu.memory_space<vmem>>
      %dma_wait3A_129 = arith.constant 0 : i32
      %dma_wait3A_130 = arith.constant 0 : i32
      %dma_wait3A_131 = tpu.memref_slice %arg3[%dma_wait3A_129, %dma_wait3A_130] : memref<10000x272xf32, #tpu.memory_space<hbm>> -> memref<10000x272xf32, #tpu.memory_space<hbm>>
      tpu.wait_indirect_dma semaphore(%arg16 : memref<!tpu.dma_semaphore, #tpu.memory_space<semaphore_mem>>) src(%dma_wait3A_131 : memref<10000x272xf32, #tpu.memory_space<hbm>>) dst(%dma_wait3A_125 : memref<40x272xf32, #tpu.memory_space<vmem>>)
      %mul3A_132 = arith.constant 40 : i32
      %mul3A_133 = arith.muli %scan3A_85, %mul3A_132 : i32
      %add3A_134 = arith.addi %mul3A_4, %mul3A_133 : i32
      %dma_wait3A_135 = arith.constant 0 : i32
      %dma_wait3A_136 = arith.constant 0 : i32
      %dma_wait3A_137 = tpu.memref_slice %arg11[%and3A_87, %dma_wait3A_135, %dma_wait3A_136] : memref<2x40x8xf32, #tpu.memory_space<vmem>> -> memref<1x40x8xf32, #tpu.memory_space<vmem>>
      %dma_wait3A_138 = tpu.memref_squeeze %dma_wait3A_137 : memref<1x40x8xf32, #tpu.memory_space<vmem>> -> memref<40x8xf32, #tpu.memory_space<vmem>>
      %dma_wait3A_139 = arith.constant 0 : i32
      %dma_wait3A_140 = tpu.memref_slice %arg6[%add3A_134, %dma_wait3A_139] : memref<320000x8xf32, #tpu.memory_space<hbm>> -> memref<40x8xf32, #tpu.memory_space<hbm>>
      %dma_wait3A_141 = arith.constant 0 : i32
      %dma_wait3A_142 = arith.constant 0 : i32
      %dma_wait3A_143 = tpu.memref_slice %arg11[%and3A_87, %dma_wait3A_141, %dma_wait3A_142] : memref<2x40x8xf32, #tpu.memory_space<vmem>> -> memref<1x40x8xf32, #tpu.memory_space<vmem>>
      %dma_wait3A_144 = tpu.memref_squeeze %dma_wait3A_143 : memref<1x40x8xf32, #tpu.memory_space<vmem>> -> memref<40x8xf32, #tpu.memory_space<vmem>>
      %dma_wait3A_145 = arith.constant 0 : i32
      %dma_wait3A_146 = tpu.memref_slice %arg6[%add3A_134, %dma_wait3A_145] : memref<320000x8xf32, #tpu.memory_space<hbm>> -> memref<40x8xf32, #tpu.memory_space<hbm>>
      tpu.wait_dma2 semaphore(%arg16 : memref<!tpu.dma_semaphore, #tpu.memory_space<semaphore_mem>>) src(%dma_wait3A_146 : memref<40x8xf32, #tpu.memory_space<hbm>>) dst(%dma_wait3A_144 : memref<40x8xf32, #tpu.memory_space<vmem>>)
      %lt3A_147 = arith.constant 249 : i32
      %lt3A_148 = arith.cmpi slt, %scan3A_85, %lt3A_147 : i32
      %convert_element_type3A_149 = arith.extui %lt3A_148 : i1 to i32
      %cond3A_150 = arith.constant 0 : i32
      %cond3A_151 = arith.cmpi ne, %convert_element_type3A_149, %cond3A_150 : i32
      scf.if %cond3A_151 {
        %eq3A_164 = arith.constant 7 : i32
        %eq3A_165 = arith.cmpi eq, %and3A_91, %eq3A_164 : i32
        %lt3A_166 = arith.constant 31 : i32
        %lt3A_167 = arith.cmpi slt, %shift_right_logical3A_89, %lt3A_166 : i32
        %and3A_168 = arith.andi %eq3A_165, %lt3A_167 : i1
        %convert_element_type3A_169 = arith.extui %and3A_168 : i1 to i32
        %cond3A_170 = arith.constant 0 : i32
        %cond3A_171 = arith.cmpi ne, %convert_element_type3A_169, %cond3A_170 : i32
        scf.if %cond3A_171 {
          %add3A_216 = arith.constant 1 : i32
          %add3A_217 = arith.addi %shift_right_logical3A_89, %add3A_216 : i32
          %mul3A_218 = arith.constant 8 : i32
          %mul3A_219 = arith.muli %add3A_217, %mul3A_218 : i32
          %add3A_220 = arith.addi %mul3A_2, %mul3A_219 : i32
          %sub3A_221 = arith.constant 1 : i32
          %sub3A_222 = arith.subi %sub3A_221, %and3A_93 : i32
          %dma_wait3A_223 = arith.constant 0 : i32
          %dma_wait3A_224 = arith.constant 0 : i32
          %dma_wait3A_225 = tpu.memref_slice %arg13[%sub3A_222, %dma_wait3A_223, %dma_wait3A_224] : memref<2x8x40xi32, #tpu.memory_space<vmem>> -> memref<1x8x40xi32, #tpu.memory_space<vmem>>
          %dma_wait3A_226 = tpu.memref_squeeze %dma_wait3A_225 : memref<1x8x40xi32, #tpu.memory_space<vmem>> -> memref<8x40xi32, #tpu.memory_space<vmem>>
          %dma_wait3A_227 = arith.constant 0 : i32
          %dma_wait3A_228 = tpu.memref_slice %arg4[%add3A_220, %dma_wait3A_227] : memref<8008x40xi32, #tpu.memory_space<hbm>> -> memref<8x40xi32, #tpu.memory_space<hbm>>
          %dma_wait3A_229 = arith.constant 0 : i32
          %dma_wait3A_230 = arith.constant 0 : i32
          %dma_wait3A_231 = tpu.memref_slice %arg13[%sub3A_222, %dma_wait3A_229, %dma_wait3A_230] : memref<2x8x40xi32, #tpu.memory_space<vmem>> -> memref<1x8x40xi32, #tpu.memory_space<vmem>>
          %dma_wait3A_232 = tpu.memref_squeeze %dma_wait3A_231 : memref<1x8x40xi32, #tpu.memory_space<vmem>> -> memref<8x40xi32, #tpu.memory_space<vmem>>
          %dma_wait3A_233 = arith.constant 0 : i32
          %dma_wait3A_234 = tpu.memref_slice %arg4[%add3A_220, %dma_wait3A_233] : memref<8008x40xi32, #tpu.memory_space<hbm>> -> memref<8x40xi32, #tpu.memory_space<hbm>>
          tpu.wait_dma2 semaphore(%arg17 : memref<!tpu.dma_semaphore, #tpu.memory_space<semaphore_mem>>) src(%dma_wait3A_234 : memref<8x40xi32, #tpu.memory_space<hbm>>) dst(%dma_wait3A_232 : memref<8x40xi32, #tpu.memory_space<vmem>>)
          %sub3A_235 = arith.constant 1 : i32
          %sub3A_236 = arith.subi %sub3A_235, %and3A_93 : i32
          %dma_wait3A_237 = arith.constant 0 : i32
          %dma_wait3A_238 = arith.constant 0 : i32
          %dma_wait3A_239 = tpu.memref_slice %arg14[%sub3A_236, %dma_wait3A_237, %dma_wait3A_238] : memref<2x8x40xi32, #tpu.memory_space<vmem>> -> memref<1x8x40xi32, #tpu.memory_space<vmem>>
          %dma_wait3A_240 = tpu.memref_squeeze %dma_wait3A_239 : memref<1x8x40xi32, #tpu.memory_space<vmem>> -> memref<8x40xi32, #tpu.memory_space<vmem>>
          %dma_wait3A_241 = arith.constant 0 : i32
          %dma_wait3A_242 = tpu.memref_slice %arg5[%add3A_220, %dma_wait3A_241] : memref<8008x40xi32, #tpu.memory_space<hbm>> -> memref<8x40xi32, #tpu.memory_space<hbm>>
          %dma_wait3A_243 = arith.constant 0 : i32
          %dma_wait3A_244 = arith.constant 0 : i32
          %dma_wait3A_245 = tpu.memref_slice %arg14[%sub3A_236, %dma_wait3A_243, %dma_wait3A_244] : memref<2x8x40xi32, #tpu.memory_space<vmem>> -> memref<1x8x40xi32, #tpu.memory_space<vmem>>
          %dma_wait3A_246 = tpu.memref_squeeze %dma_wait3A_245 : memref<1x8x40xi32, #tpu.memory_space<vmem>> -> memref<8x40xi32, #tpu.memory_space<vmem>>
          %dma_wait3A_247 = arith.constant 0 : i32
          %dma_wait3A_248 = tpu.memref_slice %arg5[%add3A_220, %dma_wait3A_247] : memref<8008x40xi32, #tpu.memory_space<hbm>> -> memref<8x40xi32, #tpu.memory_space<hbm>>
          tpu.wait_dma2 semaphore(%arg17 : memref<!tpu.dma_semaphore, #tpu.memory_space<semaphore_mem>>) src(%dma_wait3A_248 : memref<8x40xi32, #tpu.memory_space<hbm>>) dst(%dma_wait3A_246 : memref<8x40xi32, #tpu.memory_space<vmem>>)
        } else {
        }
        %add3A_172 = arith.constant 1 : i32
        %add3A_173 = arith.addi %scan3A_85, %add3A_172 : i32
        %sub3A = arith.constant 1 : i32
        %sub3A_174 = arith.subi %sub3A, %and3A_87 : i32
        %shift_right_logical3A_175 = arith.constant 3 : i32
        %shift_right_logical3A_176 = arith.shrui %add3A_173, %shift_right_logical3A_175 : i32
        %and3A_177 = arith.constant 7 : i32
        %and3A_178 = arith.andi %add3A_173, %and3A_177 : i32
        %and3A_179 = arith.constant 1 : i32
        %and3A_180 = arith.andi %shift_right_logical3A_176, %and3A_179 : i32
        %dma_start3A_181 = arith.constant 0 : i32
        %dma_start3A_182 = arith.constant 0 : i32
        %dma_start3A_183 = tpu.memref_slice %arg9[%sub3A_174, %dma_start3A_181, %dma_start3A_182] : memref<2x40x144xf32, #tpu.memory_space<vmem>> -> memref<1x40x144xf32, #tpu.memory_space<vmem>>
        %dma_start3A_184 = tpu.memref_squeeze %dma_start3A_183 : memref<1x40x144xf32, #tpu.memory_space<vmem>> -> memref<40x144xf32, #tpu.memory_space<vmem>>
        %dma_start3A_185 = arith.constant 0 : i32
        %dma_start3A_186 = tpu.memref_slice %arg14[%and3A_180, %and3A_178, %dma_start3A_185] : memref<2x8x40xi32, #tpu.memory_space<vmem>> -> memref<1x1x40xi32, #tpu.memory_space<vmem>>
        %dma_start3A_187 = tpu.memref_squeeze %dma_start3A_186 : memref<1x1x40xi32, #tpu.memory_space<vmem>> -> memref<40xi32, #tpu.memory_space<vmem>>
        %dma_start3A_188 = arith.constant 0 : i32
        %dma_start3A_189 = arith.constant 0 : i32
        %dma_start3A_190 = tpu.memref_slice %arg2[%dma_start3A_188, %dma_start3A_189] : memref<10000x144xf32, #tpu.memory_space<hbm>> -> memref<10000x144xf32, #tpu.memory_space<hbm>>
        tpu.enqueue_indirect_dma source(%dma_start3A_190 : memref<10000x144xf32, #tpu.memory_space<hbm>>) target(%dma_start3A_184 : memref<40x144xf32, #tpu.memory_space<vmem>>) offsets(%dma_start3A_187 : memref<40xi32, #tpu.memory_space<vmem>>) semaphore(%arg16 : memref<!tpu.dma_semaphore, #tpu.memory_space<semaphore_mem>>)
        %dma_start3A_191 = arith.constant 0 : i32
        %dma_start3A_192 = arith.constant 0 : i32
        %dma_start3A_193 = tpu.memref_slice %arg10[%sub3A_174, %dma_start3A_191, %dma_start3A_192] : memref<2x40x272xf32, #tpu.memory_space<vmem>> -> memref<1x40x272xf32, #tpu.memory_space<vmem>>
        %dma_start3A_194 = tpu.memref_squeeze %dma_start3A_193 : memref<1x40x272xf32, #tpu.memory_space<vmem>> -> memref<40x272xf32, #tpu.memory_space<vmem>>
        %dma_start3A_195 = arith.constant 0 : i32
        %dma_start3A_196 = tpu.memref_slice %arg13[%and3A_180, %and3A_178, %dma_start3A_195] : memref<2x8x40xi32, #tpu.memory_space<vmem>> -> memref<1x1x40xi32, #tpu.memory_space<vmem>>
        %dma_start3A_197 = tpu.memref_squeeze %dma_start3A_196 : memref<1x1x40xi32, #tpu.memory_space<vmem>> -> memref<40xi32, #tpu.memory_space<vmem>>
        %dma_start3A_198 = arith.constant 0 : i32
        %dma_start3A_199 = arith.constant 0 : i32
        %dma_start3A_200 = tpu.memref_slice %arg3[%dma_start3A_198, %dma_start3A_199] : memref<10000x272xf32, #tpu.memory_space<hbm>> -> memref<10000x272xf32, #tpu.memory_space<hbm>>
        tpu.enqueue_indirect_dma source(%dma_start3A_200 : memref<10000x272xf32, #tpu.memory_space<hbm>>) target(%dma_start3A_194 : memref<40x272xf32, #tpu.memory_space<vmem>>) offsets(%dma_start3A_197 : memref<40xi32, #tpu.memory_space<vmem>>) semaphore(%arg16 : memref<!tpu.dma_semaphore, #tpu.memory_space<semaphore_mem>>)
        %mul3A_201 = arith.constant 40 : i32
        %mul3A_202 = arith.muli %add3A_173, %mul3A_201 : i32
        %add3A_203 = arith.addi %mul3A_4, %mul3A_202 : i32
        %dma_start3A_204 = arith.constant 0 : i32
        %dma_start3A_205 = arith.constant 0 : i32
        %dma_start3A_206 = tpu.memref_slice %arg11[%sub3A_174, %dma_start3A_204, %dma_start3A_205] : memref<2x40x8xf32, #tpu.memory_space<vmem>> -> memref<1x40x8xf32, #tpu.memory_space<vmem>>
        %dma_start3A_207 = tpu.memref_squeeze %dma_start3A_206 : memref<1x40x8xf32, #tpu.memory_space<vmem>> -> memref<40x8xf32, #tpu.memory_space<vmem>>
        %dma_start3A_208 = arith.constant 0 : i32
        %dma_start3A_209 = tpu.memref_slice %arg6[%add3A_203, %dma_start3A_208] : memref<320000x8xf32, #tpu.memory_space<hbm>> -> memref<40x8xf32, #tpu.memory_space<hbm>>
        %dma_start3A_210 = arith.constant 0 : i32
        %dma_start3A_211 = arith.constant 0 : i32
        %dma_start3A_212 = tpu.memref_slice %arg11[%sub3A_174, %dma_start3A_210, %dma_start3A_211] : memref<2x40x8xf32, #tpu.memory_space<vmem>> -> memref<1x40x8xf32, #tpu.memory_space<vmem>>
        %dma_start3A_213 = tpu.memref_squeeze %dma_start3A_212 : memref<1x40x8xf32, #tpu.memory_space<vmem>> -> memref<40x8xf32, #tpu.memory_space<vmem>>
        %dma_start3A_214 = arith.constant 0 : i32
        %dma_start3A_215 = tpu.memref_slice %arg6[%add3A_203, %dma_start3A_214] : memref<320000x8xf32, #tpu.memory_space<hbm>> -> memref<40x8xf32, #tpu.memory_space<hbm>>
        tpu.enqueue_dma source(%dma_start3A_215 : memref<40x8xf32, #tpu.memory_space<hbm>>) target(%dma_start3A_213 : memref<40x8xf32, #tpu.memory_space<vmem>>) target_semaphore(%arg16 : memref<!tpu.dma_semaphore, #tpu.memory_space<semaphore_mem>>)
      } else {
      }
      %scan3A_152 = arith.constant 0 : i32
      %scan3A_153 = arith.constant 0 : i32
      %scan3A_154 = arith.constant 20 : i32
      %scan3A_155 = arith.addi %scan3A_153, %scan3A_154 : i32
      %scan3A_156 = arith.constant 1 : i32
      scf.for %scan3A_164 = %scan3A_153 to %scan3A_155 step %scan3A_156  : i32 {
        %mul3A_165 = arith.constant 2 : i32
        %mul3A_166 = arith.muli %mul3A_165, %scan3A_164 : i32
        %add3A_167 = vector.broadcast %mul3A_166 : i32 to vector<16xi32>
        %add3A_168 = arith.addi %add3A_167, %shift_right_logical3A_14 : vector<16xi32>
        %broadcast_in_dim3A = arith.constant 0.000000e+00 : f32
        %broadcast_in_dim3A_169 = vector.broadcast %broadcast_in_dim3A : f32 to vector<16xf32>
        %add3A_170 = arith.constant 0 : i32
        %add3A_171 = vector.broadcast %add3A_170 : i32 to vector<16xi32>
        %add3A_172 = arith.addi %add3A_171, %and3A_12 : vector<16xi32>
        %gather3A = arith.constant 0 : i32
        %gather3A_173 = arith.constant 0 : i32
        %gather3A_174 = tpu.memref_slice %arg9[%and3A_87, %gather3A, %gather3A_173] : memref<2x40x144xf32, #tpu.memory_space<vmem>> -> memref<1x40x144xf32, #tpu.memory_space<vmem>>
        %gather3A_175 = tpu.memref_squeeze %gather3A_174 : memref<1x40x144xf32, #tpu.memory_space<vmem>> -> memref<40x144xf32, #tpu.memory_space<vmem>>
        %gather3A_176 = tpu.vector_load_idx %gather3A_175[%add3A_168, %add3A_172] : memref<40x144xf32, #tpu.memory_space<vmem>>[vector<16xi32>, vector<16xi32>], vector<16xf32>,
        %gather3A_177 = arith.constant 0 : i32
        %gather3A_178 = arith.constant 0 : i32
        %gather3A_179 = tpu.memref_slice %arg10[%and3A_87, %gather3A_177, %gather3A_178] : memref<2x40x272xf32, #tpu.memory_space<vmem>> -> memref<1x40x272xf32, #tpu.memory_space<vmem>>
        %gather3A_180 = tpu.memref_squeeze %gather3A_179 : memref<1x40x272xf32, #tpu.memory_space<vmem>> -> memref<40x272xf32, #tpu.memory_space<vmem>>
        %gather3A_181 = tpu.vector_load_idx %gather3A_180[%add3A_168, %add3A_172] : memref<40x272xf32, #tpu.memory_space<vmem>>[vector<16xi32>, vector<16xi32>], vector<16xf32>,
        %mul3A_182 = arith.mulf %gather3A_176, %gather3A_181 : vector<16xf32>
        %add3A_183 = arith.addf %broadcast_in_dim3A_169, %mul3A_182 : vector<16xf32>
        %add3A_184 = arith.constant 8 : i32
        %add3A_185 = vector.broadcast %add3A_184 : i32 to vector<16xi32>
        %add3A_186 = arith.addi %add3A_185, %and3A_12 : vector<16xi32>
        %gather3A_187 = arith.constant 0 : i32
        %gather3A_188 = arith.constant 0 : i32
        %gather3A_189 = tpu.memref_slice %arg9[%and3A_87, %gather3A_187, %gather3A_188] : memref<2x40x144xf32, #tpu.memory_space<vmem>> -> memref<1x40x144xf32, #tpu.memory_space<vmem>>
        %gather3A_190 = tpu.memref_squeeze %gather3A_189 : memref<1x40x144xf32, #tpu.memory_space<vmem>> -> memref<40x144xf32, #tpu.memory_space<vmem>>
        %gather3A_191 = tpu.vector_load_idx %gather3A_190[%add3A_168, %add3A_186] : memref<40x144xf32, #tpu.memory_space<vmem>>[vector<16xi32>, vector<16xi32>], vector<16xf32>,
        %gather3A_192 = arith.constant 0 : i32
        %gather3A_193 = arith.constant 0 : i32
        %gather3A_194 = tpu.memref_slice %arg10[%and3A_87, %gather3A_192, %gather3A_193] : memref<2x40x272xf32, #tpu.memory_space<vmem>> -> memref<1x40x272xf32, #tpu.memory_space<vmem>>
        %gather3A_195 = tpu.memref_squeeze %gather3A_194 : memref<1x40x272xf32, #tpu.memory_space<vmem>> -> memref<40x272xf32, #tpu.memory_space<vmem>>
        %gather3A_196 = tpu.vector_load_idx %gather3A_195[%add3A_168, %add3A_186] : memref<40x272xf32, #tpu.memory_space<vmem>>[vector<16xi32>, vector<16xi32>], vector<16xf32>,
        %mul3A_197 = arith.mulf %gather3A_191, %gather3A_196 : vector<16xf32>
        %add3A_198 = arith.addf %add3A_183, %mul3A_197 : vector<16xf32>
        %add3A_199 = arith.constant 16 : i32
        %add3A_200 = vector.broadcast %add3A_199 : i32 to vector<16xi32>
        %add3A_201 = arith.addi %add3A_200, %and3A_12 : vector<16xi32>
        %gather3A_202 = arith.constant 0 : i32
        %gather3A_203 = arith.constant 0 : i32
        %gather3A_204 = tpu.memref_slice %arg9[%and3A_87, %gather3A_202, %gather3A_203] : memref<2x40x144xf32, #tpu.memory_space<vmem>> -> memref<1x40x144xf32, #tpu.memory_space<vmem>>
        %gather3A_205 = tpu.memref_squeeze %gather3A_204 : memref<1x40x144xf32, #tpu.memory_space<vmem>> -> memref<40x144xf32, #tpu.memory_space<vmem>>
        %gather3A_206 = tpu.vector_load_idx %gather3A_205[%add3A_168, %add3A_201] : memref<40x144xf32, #tpu.memory_space<vmem>>[vector<16xi32>, vector<16xi32>], vector<16xf32>,
        %gather3A_207 = arith.constant 0 : i32
        %gather3A_208 = arith.constant 0 : i32
        %gather3A_209 = tpu.memref_slice %arg10[%and3A_87, %gather3A_207, %gather3A_208] : memref<2x40x272xf32, #tpu.memory_space<vmem>> -> memref<1x40x272xf32, #tpu.memory_space<vmem>>
        %gather3A_210 = tpu.memref_squeeze %gather3A_209 : memref<1x40x272xf32, #tpu.memory_space<vmem>> -> memref<40x272xf32, #tpu.memory_space<vmem>>
        %gather3A_211 = tpu.vector_load_idx %gather3A_210[%add3A_168, %add3A_201] : memref<40x272xf32, #tpu.memory_space<vmem>>[vector<16xi32>, vector<16xi32>], vector<16xf32>,
        %mul3A_212 = arith.mulf %gather3A_206, %gather3A_211 : vector<16xf32>
        %add3A_213 = arith.addf %add3A_198, %mul3A_212 : vector<16xf32>
        %add3A_214 = arith.constant 24 : i32
        %add3A_215 = vector.broadcast %add3A_214 : i32 to vector<16xi32>
        %add3A_216 = arith.addi %add3A_215, %and3A_12 : vector<16xi32>
        %gather3A_217 = arith.constant 0 : i32
        %gather3A_218 = arith.constant 0 : i32
        %gather3A_219 = tpu.memref_slice %arg9[%and3A_87, %gather3A_217, %gather3A_218] : memref<2x40x144xf32, #tpu.memory_space<vmem>> -> memref<1x40x144xf32, #tpu.memory_space<vmem>>
        %gather3A_220 = tpu.memref_squeeze %gather3A_219 : memref<1x40x144xf32, #tpu.memory_space<vmem>> -> memref<40x144xf32, #tpu.memory_space<vmem>>
        %gather3A_221 = tpu.vector_load_idx %gather3A_220[%add3A_168, %add3A_216] : memref<40x144xf32, #tpu.memory_space<vmem>>[vector<16xi32>, vector<16xi32>], vector<16xf32>,
        %gather3A_222 = arith.constant 0 : i32
        %gather3A_223 = arith.constant 0 : i32
        %gather3A_224 = tpu.memref_slice %arg10[%and3A_87, %gather3A_222, %gather3A_223] : memref<2x40x272xf32, #tpu.memory_space<vmem>> -> memref<1x40x272xf32, #tpu.memory_space<vmem>>
        %gather3A_225 = tpu.memref_squeeze %gather3A_224 : memref<1x40x272xf32, #tpu.memory_space<vmem>> -> memref<40x272xf32, #tpu.memory_space<vmem>>
        %gather3A_226 = tpu.vector_load_idx %gather3A_225[%add3A_168, %add3A_216] : memref<40x272xf32, #tpu.memory_space<vmem>>[vector<16xi32>, vector<16xi32>], vector<16xf32>,
        %mul3A_227 = arith.mulf %gather3A_221, %gather3A_226 : vector<16xf32>
        %add3A_228 = arith.addf %add3A_213, %mul3A_227 : vector<16xf32>
        %add3A_229 = arith.constant 32 : i32
        %add3A_230 = vector.broadcast %add3A_229 : i32 to vector<16xi32>
        %add3A_231 = arith.addi %add3A_230, %and3A_12 : vector<16xi32>
        %gather3A_232 = arith.constant 0 : i32
        %gather3A_233 = arith.constant 0 : i32
        %gather3A_234 = tpu.memref_slice %arg9[%and3A_87, %gather3A_232, %gather3A_233] : memref<2x40x144xf32, #tpu.memory_space<vmem>> -> memref<1x40x144xf32, #tpu.memory_space<vmem>>
        %gather3A_235 = tpu.memref_squeeze %gather3A_234 : memref<1x40x144xf32, #tpu.memory_space<vmem>> -> memref<40x144xf32, #tpu.memory_space<vmem>>
        %gather3A_236 = tpu.vector_load_idx %gather3A_235[%add3A_168, %add3A_231] : memref<40x144xf32, #tpu.memory_space<vmem>>[vector<16xi32>, vector<16xi32>], vector<16xf32>,
        %gather3A_237 = arith.constant 0 : i32
        %gather3A_238 = arith.constant 0 : i32
        %gather3A_239 = tpu.memref_slice %arg10[%and3A_87, %gather3A_237, %gather3A_238] : memref<2x40x272xf32, #tpu.memory_space<vmem>> -> memref<1x40x272xf32, #tpu.memory_space<vmem>>
        %gather3A_240 = tpu.memref_squeeze %gather3A_239 : memref<1x40x272xf32, #tpu.memory_space<vmem>> -> memref<40x272xf32, #tpu.memory_space<vmem>>
        %gather3A_241 = tpu.vector_load_idx %gather3A_240[%add3A_168, %add3A_231] : memref<40x272xf32, #tpu.memory_space<vmem>>[vector<16xi32>, vector<16xi32>], vector<16xf32>,
        %mul3A_242 = arith.mulf %gather3A_236, %gather3A_241 : vector<16xf32>
        %add3A_243 = arith.addf %add3A_228, %mul3A_242 : vector<16xf32>
        %add3A_244 = arith.constant 40 : i32
        %add3A_245 = vector.broadcast %add3A_244 : i32 to vector<16xi32>
        %add3A_246 = arith.addi %add3A_245, %and3A_12 : vector<16xi32>
        %gather3A_247 = arith.constant 0 : i32
        %gather3A_248 = arith.constant 0 : i32
        %gather3A_249 = tpu.memref_slice %arg9[%and3A_87, %gather3A_247, %gather3A_248] : memref<2x40x144xf32, #tpu.memory_space<vmem>> -> memref<1x40x144xf32, #tpu.memory_space<vmem>>
        %gather3A_250 = tpu.memref_squeeze %gather3A_249 : memref<1x40x144xf32, #tpu.memory_space<vmem>> -> memref<40x144xf32, #tpu.memory_space<vmem>>
        %gather3A_251 = tpu.vector_load_idx %gather3A_250[%add3A_168, %add3A_246] : memref<40x144xf32, #tpu.memory_space<vmem>>[vector<16xi32>, vector<16xi32>], vector<16xf32>,
        %gather3A_252 = arith.constant 0 : i32
        %gather3A_253 = arith.constant 0 : i32
        %gather3A_254 = tpu.memref_slice %arg10[%and3A_87, %gather3A_252, %gather3A_253] : memref<2x40x272xf32, #tpu.memory_space<vmem>> -> memref<1x40x272xf32, #tpu.memory_space<vmem>>
        %gather3A_255 = tpu.memref_squeeze %gather3A_254 : memref<1x40x272xf32, #tpu.memory_space<vmem>> -> memref<40x272xf32, #tpu.memory_space<vmem>>
        %gather3A_256 = tpu.vector_load_idx %gather3A_255[%add3A_168, %add3A_246] : memref<40x272xf32, #tpu.memory_space<vmem>>[vector<16xi32>, vector<16xi32>], vector<16xf32>,
        %mul3A_257 = arith.mulf %gather3A_251, %gather3A_256 : vector<16xf32>
        %add3A_258 = arith.addf %add3A_243, %mul3A_257 : vector<16xf32>
        %add3A_259 = arith.constant 48 : i32
        %add3A_260 = vector.broadcast %add3A_259 : i32 to vector<16xi32>
        %add3A_261 = arith.addi %add3A_260, %and3A_12 : vector<16xi32>
        %gather3A_262 = arith.constant 0 : i32
        %gather3A_263 = arith.constant 0 : i32
        %gather3A_264 = tpu.memref_slice %arg9[%and3A_87, %gather3A_262, %gather3A_263] : memref<2x40x144xf32, #tpu.memory_space<vmem>> -> memref<1x40x144xf32, #tpu.memory_space<vmem>>
        %gather3A_265 = tpu.memref_squeeze %gather3A_264 : memref<1x40x144xf32, #tpu.memory_space<vmem>> -> memref<40x144xf32, #tpu.memory_space<vmem>>
        %gather3A_266 = tpu.vector_load_idx %gather3A_265[%add3A_168, %add3A_261] : memref<40x144xf32, #tpu.memory_space<vmem>>[vector<16xi32>, vector<16xi32>], vector<16xf32>,
        %gather3A_267 = arith.constant 0 : i32
        %gather3A_268 = arith.constant 0 : i32
        %gather3A_269 = tpu.memref_slice %arg10[%and3A_87, %gather3A_267, %gather3A_268] : memref<2x40x272xf32, #tpu.memory_space<vmem>> -> memref<1x40x272xf32, #tpu.memory_space<vmem>>
        %gather3A_270 = tpu.memref_squeeze %gather3A_269 : memref<1x40x272xf32, #tpu.memory_space<vmem>> -> memref<40x272xf32, #tpu.memory_space<vmem>>
        %gather3A_271 = tpu.vector_load_idx %gather3A_270[%add3A_168, %add3A_261] : memref<40x272xf32, #tpu.memory_space<vmem>>[vector<16xi32>, vector<16xi32>], vector<16xf32>,
        %mul3A_272 = arith.mulf %gather3A_266, %gather3A_271 : vector<16xf32>
        %add3A_273 = arith.addf %add3A_258, %mul3A_272 : vector<16xf32>
        %add3A_274 = arith.constant 56 : i32
        %add3A_275 = vector.broadcast %add3A_274 : i32 to vector<16xi32>
        %add3A_276 = arith.addi %add3A_275, %and3A_12 : vector<16xi32>
        %gather3A_277 = arith.constant 0 : i32
        %gather3A_278 = arith.constant 0 : i32
        %gather3A_279 = tpu.memref_slice %arg9[%and3A_87, %gather3A_277, %gather3A_278] : memref<2x40x144xf32, #tpu.memory_space<vmem>> -> memref<1x40x144xf32, #tpu.memory_space<vmem>>
        %gather3A_280 = tpu.memref_squeeze %gather3A_279 : memref<1x40x144xf32, #tpu.memory_space<vmem>> -> memref<40x144xf32, #tpu.memory_space<vmem>>
        %gather3A_281 = tpu.vector_load_idx %gather3A_280[%add3A_168, %add3A_276] : memref<40x144xf32, #tpu.memory_space<vmem>>[vector<16xi32>, vector<16xi32>], vector<16xf32>,
        %gather3A_282 = arith.constant 0 : i32
        %gather3A_283 = arith.constant 0 : i32
        %gather3A_284 = tpu.memref_slice %arg10[%and3A_87, %gather3A_282, %gather3A_283] : memref<2x40x272xf32, #tpu.memory_space<vmem>> -> memref<1x40x272xf32, #tpu.memory_space<vmem>>
        %gather3A_285 = tpu.memref_squeeze %gather3A_284 : memref<1x40x272xf32, #tpu.memory_space<vmem>> -> memref<40x272xf32, #tpu.memory_space<vmem>>
        %gather3A_286 = tpu.vector_load_idx %gather3A_285[%add3A_168, %add3A_276] : memref<40x272xf32, #tpu.memory_space<vmem>>[vector<16xi32>, vector<16xi32>], vector<16xf32>,
        %mul3A_287 = arith.mulf %gather3A_281, %gather3A_286 : vector<16xf32>
        %add3A_288 = arith.addf %add3A_273, %mul3A_287 : vector<16xf32>
        %add3A_289 = arith.constant 64 : i32
        %add3A_290 = vector.broadcast %add3A_289 : i32 to vector<16xi32>
        %add3A_291 = arith.addi %add3A_290, %and3A_12 : vector<16xi32>
        %gather3A_292 = arith.constant 0 : i32
        %gather3A_293 = arith.constant 0 : i32
        %gather3A_294 = tpu.memref_slice %arg9[%and3A_87, %gather3A_292, %gather3A_293] : memref<2x40x144xf32, #tpu.memory_space<vmem>> -> memref<1x40x144xf32, #tpu.memory_space<vmem>>
        %gather3A_295 = tpu.memref_squeeze %gather3A_294 : memref<1x40x144xf32, #tpu.memory_space<vmem>> -> memref<40x144xf32, #tpu.memory_space<vmem>>
        %gather3A_296 = tpu.vector_load_idx %gather3A_295[%add3A_168, %add3A_291] : memref<40x144xf32, #tpu.memory_space<vmem>>[vector<16xi32>, vector<16xi32>], vector<16xf32>,
        %gather3A_297 = arith.constant 0 : i32
        %gather3A_298 = arith.constant 0 : i32
        %gather3A_299 = tpu.memref_slice %arg10[%and3A_87, %gather3A_297, %gather3A_298] : memref<2x40x272xf32, #tpu.memory_space<vmem>> -> memref<1x40x272xf32, #tpu.memory_space<vmem>>
        %gather3A_300 = tpu.memref_squeeze %gather3A_299 : memref<1x40x272xf32, #tpu.memory_space<vmem>> -> memref<40x272xf32, #tpu.memory_space<vmem>>
        %gather3A_301 = tpu.vector_load_idx %gather3A_300[%add3A_168, %add3A_291] : memref<40x272xf32, #tpu.memory_space<vmem>>[vector<16xi32>, vector<16xi32>], vector<16xf32>,
        %mul3A_302 = arith.mulf %gather3A_296, %gather3A_301 : vector<16xf32>
        %add3A_303 = arith.addf %add3A_288, %mul3A_302 : vector<16xf32>
        %add3A_304 = arith.constant 72 : i32
        %add3A_305 = vector.broadcast %add3A_304 : i32 to vector<16xi32>
        %add3A_306 = arith.addi %add3A_305, %and3A_12 : vector<16xi32>
        %gather3A_307 = arith.constant 0 : i32
        %gather3A_308 = arith.constant 0 : i32
        %gather3A_309 = tpu.memref_slice %arg9[%and3A_87, %gather3A_307, %gather3A_308] : memref<2x40x144xf32, #tpu.memory_space<vmem>> -> memref<1x40x144xf32, #tpu.memory_space<vmem>>
        %gather3A_310 = tpu.memref_squeeze %gather3A_309 : memref<1x40x144xf32, #tpu.memory_space<vmem>> -> memref<40x144xf32, #tpu.memory_space<vmem>>
        %gather3A_311 = tpu.vector_load_idx %gather3A_310[%add3A_168, %add3A_306] : memref<40x144xf32, #tpu.memory_space<vmem>>[vector<16xi32>, vector<16xi32>], vector<16xf32>,
        %gather3A_312 = arith.constant 0 : i32
        %gather3A_313 = arith.constant 0 : i32
        %gather3A_314 = tpu.memref_slice %arg10[%and3A_87, %gather3A_312, %gather3A_313] : memref<2x40x272xf32, #tpu.memory_space<vmem>> -> memref<1x40x272xf32, #tpu.memory_space<vmem>>
        %gather3A_315 = tpu.memref_squeeze %gather3A_314 : memref<1x40x272xf32, #tpu.memory_space<vmem>> -> memref<40x272xf32, #tpu.memory_space<vmem>>
        %gather3A_316 = tpu.vector_load_idx %gather3A_315[%add3A_168, %add3A_306] : memref<40x272xf32, #tpu.memory_space<vmem>>[vector<16xi32>, vector<16xi32>], vector<16xf32>,
        %mul3A_317 = arith.mulf %gather3A_311, %gather3A_316 : vector<16xf32>
        %add3A_318 = arith.addf %add3A_303, %mul3A_317 : vector<16xf32>
        %add3A_319 = arith.constant 80 : i32
        %add3A_320 = vector.broadcast %add3A_319 : i32 to vector<16xi32>
        %add3A_321 = arith.addi %add3A_320, %and3A_12 : vector<16xi32>
        %gather3A_322 = arith.constant 0 : i32
        %gather3A_323 = arith.constant 0 : i32
        %gather3A_324 = tpu.memref_slice %arg9[%and3A_87, %gather3A_322, %gather3A_323] : memref<2x40x144xf32, #tpu.memory_space<vmem>> -> memref<1x40x144xf32, #tpu.memory_space<vmem>>
        %gather3A_325 = tpu.memref_squeeze %gather3A_324 : memref<1x40x144xf32, #tpu.memory_space<vmem>> -> memref<40x144xf32, #tpu.memory_space<vmem>>
        %gather3A_326 = tpu.vector_load_idx %gather3A_325[%add3A_168, %add3A_321] : memref<40x144xf32, #tpu.memory_space<vmem>>[vector<16xi32>, vector<16xi32>], vector<16xf32>,
        %gather3A_327 = arith.constant 0 : i32
        %gather3A_328 = arith.constant 0 : i32
        %gather3A_329 = tpu.memref_slice %arg10[%and3A_87, %gather3A_327, %gather3A_328] : memref<2x40x272xf32, #tpu.memory_space<vmem>> -> memref<1x40x272xf32, #tpu.memory_space<vmem>>
        %gather3A_330 = tpu.memref_squeeze %gather3A_329 : memref<1x40x272xf32, #tpu.memory_space<vmem>> -> memref<40x272xf32, #tpu.memory_space<vmem>>
        %gather3A_331 = tpu.vector_load_idx %gather3A_330[%add3A_168, %add3A_321] : memref<40x272xf32, #tpu.memory_space<vmem>>[vector<16xi32>, vector<16xi32>], vector<16xf32>,
        %mul3A_332 = arith.mulf %gather3A_326, %gather3A_331 : vector<16xf32>
        %add3A_333 = arith.addf %add3A_318, %mul3A_332 : vector<16xf32>
        %add3A_334 = arith.constant 88 : i32
        %add3A_335 = vector.broadcast %add3A_334 : i32 to vector<16xi32>
        %add3A_336 = arith.addi %add3A_335, %and3A_12 : vector<16xi32>
        %gather3A_337 = arith.constant 0 : i32
        %gather3A_338 = arith.constant 0 : i32
        %gather3A_339 = tpu.memref_slice %arg9[%and3A_87, %gather3A_337, %gather3A_338] : memref<2x40x144xf32, #tpu.memory_space<vmem>> -> memref<1x40x144xf32, #tpu.memory_space<vmem>>
        %gather3A_340 = tpu.memref_squeeze %gather3A_339 : memref<1x40x144xf32, #tpu.memory_space<vmem>> -> memref<40x144xf32, #tpu.memory_space<vmem>>
        %gather3A_341 = tpu.vector_load_idx %gather3A_340[%add3A_168, %add3A_336] : memref<40x144xf32, #tpu.memory_space<vmem>>[vector<16xi32>, vector<16xi32>], vector<16xf32>,
        %gather3A_342 = arith.constant 0 : i32
        %gather3A_343 = arith.constant 0 : i32
        %gather3A_344 = tpu.memref_slice %arg10[%and3A_87, %gather3A_342, %gather3A_343] : memref<2x40x272xf32, #tpu.memory_space<vmem>> -> memref<1x40x272xf32, #tpu.memory_space<vmem>>
        %gather3A_345 = tpu.memref_squeeze %gather3A_344 : memref<1x40x272xf32, #tpu.memory_space<vmem>> -> memref<40x272xf32, #tpu.memory_space<vmem>>
        %gather3A_346 = tpu.vector_load_idx %gather3A_345[%add3A_168, %add3A_336] : memref<40x272xf32, #tpu.memory_space<vmem>>[vector<16xi32>, vector<16xi32>], vector<16xf32>,
        %mul3A_347 = arith.mulf %gather3A_341, %gather3A_346 : vector<16xf32>
        %add3A_348 = arith.addf %add3A_333, %mul3A_347 : vector<16xf32>
        %add3A_349 = arith.constant 96 : i32
        %add3A_350 = vector.broadcast %add3A_349 : i32 to vector<16xi32>
        %add3A_351 = arith.addi %add3A_350, %and3A_12 : vector<16xi32>
        %gather3A_352 = arith.constant 0 : i32
        %gather3A_353 = arith.constant 0 : i32
        %gather3A_354 = tpu.memref_slice %arg9[%and3A_87, %gather3A_352, %gather3A_353] : memref<2x40x144xf32, #tpu.memory_space<vmem>> -> memref<1x40x144xf32, #tpu.memory_space<vmem>>
        %gather3A_355 = tpu.memref_squeeze %gather3A_354 : memref<1x40x144xf32, #tpu.memory_space<vmem>> -> memref<40x144xf32, #tpu.memory_space<vmem>>
        %gather3A_356 = tpu.vector_load_idx %gather3A_355[%add3A_168, %add3A_351] : memref<40x144xf32, #tpu.memory_space<vmem>>[vector<16xi32>, vector<16xi32>], vector<16xf32>,
        %gather3A_357 = arith.constant 0 : i32
        %gather3A_358 = arith.constant 0 : i32
        %gather3A_359 = tpu.memref_slice %arg10[%and3A_87, %gather3A_357, %gather3A_358] : memref<2x40x272xf32, #tpu.memory_space<vmem>> -> memref<1x40x272xf32, #tpu.memory_space<vmem>>
        %gather3A_360 = tpu.memref_squeeze %gather3A_359 : memref<1x40x272xf32, #tpu.memory_space<vmem>> -> memref<40x272xf32, #tpu.memory_space<vmem>>
        %gather3A_361 = tpu.vector_load_idx %gather3A_360[%add3A_168, %add3A_351] : memref<40x272xf32, #tpu.memory_space<vmem>>[vector<16xi32>, vector<16xi32>], vector<16xf32>,
        %mul3A_362 = arith.mulf %gather3A_356, %gather3A_361 : vector<16xf32>
        %add3A_363 = arith.addf %add3A_348, %mul3A_362 : vector<16xf32>
        %add3A_364 = arith.constant 104 : i32
        %add3A_365 = vector.broadcast %add3A_364 : i32 to vector<16xi32>
        %add3A_366 = arith.addi %add3A_365, %and3A_12 : vector<16xi32>
        %gather3A_367 = arith.constant 0 : i32
        %gather3A_368 = arith.constant 0 : i32
        %gather3A_369 = tpu.memref_slice %arg9[%and3A_87, %gather3A_367, %gather3A_368] : memref<2x40x144xf32, #tpu.memory_space<vmem>> -> memref<1x40x144xf32, #tpu.memory_space<vmem>>
        %gather3A_370 = tpu.memref_squeeze %gather3A_369 : memref<1x40x144xf32, #tpu.memory_space<vmem>> -> memref<40x144xf32, #tpu.memory_space<vmem>>
        %gather3A_371 = tpu.vector_load_idx %gather3A_370[%add3A_168, %add3A_366] : memref<40x144xf32, #tpu.memory_space<vmem>>[vector<16xi32>, vector<16xi32>], vector<16xf32>,
        %gather3A_372 = arith.constant 0 : i32
        %gather3A_373 = arith.constant 0 : i32
        %gather3A_374 = tpu.memref_slice %arg10[%and3A_87, %gather3A_372, %gather3A_373] : memref<2x40x272xf32, #tpu.memory_space<vmem>> -> memref<1x40x272xf32, #tpu.memory_space<vmem>>
        %gather3A_375 = tpu.memref_squeeze %gather3A_374 : memref<1x40x272xf32, #tpu.memory_space<vmem>> -> memref<40x272xf32, #tpu.memory_space<vmem>>
        %gather3A_376 = tpu.vector_load_idx %gather3A_375[%add3A_168, %add3A_366] : memref<40x272xf32, #tpu.memory_space<vmem>>[vector<16xi32>, vector<16xi32>], vector<16xf32>,
        %mul3A_377 = arith.mulf %gather3A_371, %gather3A_376 : vector<16xf32>
        %add3A_378 = arith.addf %add3A_363, %mul3A_377 : vector<16xf32>
        %add3A_379 = arith.constant 112 : i32
        %add3A_380 = vector.broadcast %add3A_379 : i32 to vector<16xi32>
        %add3A_381 = arith.addi %add3A_380, %and3A_12 : vector<16xi32>
        %gather3A_382 = arith.constant 0 : i32
        %gather3A_383 = arith.constant 0 : i32
        %gather3A_384 = tpu.memref_slice %arg9[%and3A_87, %gather3A_382, %gather3A_383] : memref<2x40x144xf32, #tpu.memory_space<vmem>> -> memref<1x40x144xf32, #tpu.memory_space<vmem>>
        %gather3A_385 = tpu.memref_squeeze %gather3A_384 : memref<1x40x144xf32, #tpu.memory_space<vmem>> -> memref<40x144xf32, #tpu.memory_space<vmem>>
        %gather3A_386 = tpu.vector_load_idx %gather3A_385[%add3A_168, %add3A_381] : memref<40x144xf32, #tpu.memory_space<vmem>>[vector<16xi32>, vector<16xi32>], vector<16xf32>,
        %gather3A_387 = arith.constant 0 : i32
        %gather3A_388 = arith.constant 0 : i32
        %gather3A_389 = tpu.memref_slice %arg10[%and3A_87, %gather3A_387, %gather3A_388] : memref<2x40x272xf32, #tpu.memory_space<vmem>> -> memref<1x40x272xf32, #tpu.memory_space<vmem>>
        %gather3A_390 = tpu.memref_squeeze %gather3A_389 : memref<1x40x272xf32, #tpu.memory_space<vmem>> -> memref<40x272xf32, #tpu.memory_space<vmem>>
        %gather3A_391 = tpu.vector_load_idx %gather3A_390[%add3A_168, %add3A_381] : memref<40x272xf32, #tpu.memory_space<vmem>>[vector<16xi32>, vector<16xi32>], vector<16xf32>,
        %mul3A_392 = arith.mulf %gather3A_386, %gather3A_391 : vector<16xf32>
        %add3A_393 = arith.addf %add3A_378, %mul3A_392 : vector<16xf32>
        %add3A_394 = arith.constant 120 : i32
        %add3A_395 = vector.broadcast %add3A_394 : i32 to vector<16xi32>
        %add3A_396 = arith.addi %add3A_395, %and3A_12 : vector<16xi32>
        %gather3A_397 = arith.constant 0 : i32
        %gather3A_398 = arith.constant 0 : i32
        %gather3A_399 = tpu.memref_slice %arg9[%and3A_87, %gather3A_397, %gather3A_398] : memref<2x40x144xf32, #tpu.memory_space<vmem>> -> memref<1x40x144xf32, #tpu.memory_space<vmem>>
        %gather3A_400 = tpu.memref_squeeze %gather3A_399 : memref<1x40x144xf32, #tpu.memory_space<vmem>> -> memref<40x144xf32, #tpu.memory_space<vmem>>
        %gather3A_401 = tpu.vector_load_idx %gather3A_400[%add3A_168, %add3A_396] : memref<40x144xf32, #tpu.memory_space<vmem>>[vector<16xi32>, vector<16xi32>], vector<16xf32>,
        %gather3A_402 = arith.constant 0 : i32
        %gather3A_403 = arith.constant 0 : i32
        %gather3A_404 = tpu.memref_slice %arg10[%and3A_87, %gather3A_402, %gather3A_403] : memref<2x40x272xf32, #tpu.memory_space<vmem>> -> memref<1x40x272xf32, #tpu.memory_space<vmem>>
        %gather3A_405 = tpu.memref_squeeze %gather3A_404 : memref<1x40x272xf32, #tpu.memory_space<vmem>> -> memref<40x272xf32, #tpu.memory_space<vmem>>
        %gather3A_406 = tpu.vector_load_idx %gather3A_405[%add3A_168, %add3A_396] : memref<40x272xf32, #tpu.memory_space<vmem>>[vector<16xi32>, vector<16xi32>], vector<16xf32>,
        %mul3A_407 = arith.mulf %gather3A_401, %gather3A_406 : vector<16xf32>
        %add3A_408 = arith.addf %add3A_393, %mul3A_407 : vector<16xf32>
        %add3A_409 = arith.constant 128 : i32
        %add3A_410 = vector.broadcast %add3A_409 : i32 to vector<16xi32>
        %add3A_411 = arith.addi %add3A_410, %and3A_12 : vector<16xi32>
        %gather3A_412 = arith.constant 0 : i32
        %gather3A_413 = arith.constant 0 : i32
        %gather3A_414 = tpu.memref_slice %arg9[%and3A_87, %gather3A_412, %gather3A_413] : memref<2x40x144xf32, #tpu.memory_space<vmem>> -> memref<1x40x144xf32, #tpu.memory_space<vmem>>
        %gather3A_415 = tpu.memref_squeeze %gather3A_414 : memref<1x40x144xf32, #tpu.memory_space<vmem>> -> memref<40x144xf32, #tpu.memory_space<vmem>>
        %gather3A_416 = tpu.vector_load_idx %gather3A_415[%add3A_168, %add3A_411] : memref<40x144xf32, #tpu.memory_space<vmem>>[vector<16xi32>, vector<16xi32>], vector<16xf32>,
        %gather3A_417 = arith.constant 0 : i32
        %gather3A_418 = arith.constant 0 : i32
        %gather3A_419 = tpu.memref_slice %arg10[%and3A_87, %gather3A_417, %gather3A_418] : memref<2x40x272xf32, #tpu.memory_space<vmem>> -> memref<1x40x272xf32, #tpu.memory_space<vmem>>
        %gather3A_420 = tpu.memref_squeeze %gather3A_419 : memref<1x40x272xf32, #tpu.memory_space<vmem>> -> memref<40x272xf32, #tpu.memory_space<vmem>>
        %gather3A_421 = tpu.vector_load_idx %gather3A_420[%add3A_168, %add3A_411] : memref<40x272xf32, #tpu.memory_space<vmem>>[vector<16xi32>, vector<16xi32>], vector<16xf32>,
        %mul3A_422 = arith.mulf %gather3A_416, %gather3A_421 : vector<16xf32>
        %add3A_423 = arith.addf %add3A_408, %mul3A_422 : vector<16xf32>
        %gather3A_424 = arith.constant 0 : i32
        %gather3A_425 = arith.constant 0 : i32
        %gather3A_426 = tpu.memref_slice %arg11[%and3A_87, %gather3A_424, %gather3A_425] : memref<2x40x8xf32, #tpu.memory_space<vmem>> -> memref<1x40x8xf32, #tpu.memory_space<vmem>>
        %gather3A_427 = tpu.memref_squeeze %gather3A_426 : memref<1x40x8xf32, #tpu.memory_space<vmem>> -> memref<40x8xf32, #tpu.memory_space<vmem>>
        %gather3A_428 = tpu.vector_load_idx %gather3A_427[%add3A_168, %and3A_12] : memref<40x8xf32, #tpu.memory_space<vmem>>[vector<16xi32>, vector<16xi32>], vector<16xf32>,
        %mul3A_429 = arith.constant 5.000000e-01 : f32
        %mul3A_430 = vector.broadcast %mul3A_429 : f32 to vector<16xf32>
        %mul3A_431 = arith.mulf %add3A_423, %mul3A_430 : vector<16xf32>
        %add3A_432 = arith.constant 5.000000e-01 : f32
        %add3A_433 = vector.broadcast %add3A_432 : f32 to vector<16xf32>
        %add3A_434 = arith.addf %gather3A_428, %add3A_433 : vector<16xf32>
        %add3A_435 = arith.addf %mul3A_431, %add3A_434 : vector<16xf32>
        %exp3A = math.exp %add3A_435 : vector<16xf32>
        tpu.vector_store_idx %arg12[%add3A_168, %and3A_12], %exp3A : memref<40x144xf32, #tpu.memory_space<vmem>>[vector<16xi32>, vector<16xi32>], vector<16xf32>,
        %add3A_436 = arith.constant 136 : i32
        %add3A_437 = vector.broadcast %add3A_436 : i32 to vector<16xi32>
        %add3A_438 = arith.addi %add3A_437, %and3A_12 : vector<16xi32>
        %gather3A_439 = arith.constant 0 : i32
        %gather3A_440 = arith.constant 0 : i32
        %gather3A_441 = tpu.memref_slice %arg10[%and3A_87, %gather3A_439, %gather3A_440] : memref<2x40x272xf32, #tpu.memory_space<vmem>> -> memref<1x40x272xf32, #tpu.memory_space<vmem>>
        %gather3A_442 = tpu.memref_squeeze %gather3A_441 : memref<1x40x272xf32, #tpu.memory_space<vmem>> -> memref<40x272xf32, #tpu.memory_space<vmem>>
        %gather3A_443 = tpu.vector_load_idx %gather3A_442[%add3A_168, %add3A_438] : memref<40x272xf32, #tpu.memory_space<vmem>>[vector<16xi32>, vector<16xi32>], vector<16xf32>,
        %add3A_444 = arith.constant 8 : i32
        %add3A_445 = vector.broadcast %add3A_444 : i32 to vector<16xi32>
        %add3A_446 = arith.addi %add3A_445, %and3A_12 : vector<16xi32>
        %mul3A_447 = arith.mulf %exp3A, %gather3A_443 : vector<16xf32>
        tpu.vector_store_idx %arg12[%add3A_168, %add3A_446], %mul3A_447 : memref<40x144xf32, #tpu.memory_space<vmem>>[vector<16xi32>, vector<16xi32>], vector<16xf32>,
        %add3A_448 = arith.constant 144 : i32
        %add3A_449 = vector.broadcast %add3A_448 : i32 to vector<16xi32>
        %add3A_450 = arith.addi %add3A_449, %and3A_12 : vector<16xi32>
        %gather3A_451 = arith.constant 0 : i32
        %gather3A_452 = arith.constant 0 : i32
        %gather3A_453 = tpu.memref_slice %arg10[%and3A_87, %gather3A_451, %gather3A_452] : memref<2x40x272xf32, #tpu.memory_space<vmem>> -> memref<1x40x272xf32, #tpu.memory_space<vmem>>
        %gather3A_454 = tpu.memref_squeeze %gather3A_453 : memref<1x40x272xf32, #tpu.memory_space<vmem>> -> memref<40x272xf32, #tpu.memory_space<vmem>>
        %gather3A_455 = tpu.vector_load_idx %gather3A_454[%add3A_168, %add3A_450] : memref<40x272xf32, #tpu.memory_space<vmem>>[vector<16xi32>, vector<16xi32>], vector<16xf32>,
        %add3A_456 = arith.constant 16 : i32
        %add3A_457 = vector.broadcast %add3A_456 : i32 to vector<16xi32>
        %add3A_458 = arith.addi %add3A_457, %and3A_12 : vector<16xi32>
        %mul3A_459 = arith.mulf %exp3A, %gather3A_455 : vector<16xf32>
        tpu.vector_store_idx %arg12[%add3A_168, %add3A_458], %mul3A_459 : memref<40x144xf32, #tpu.memory_space<vmem>>[vector<16xi32>, vector<16xi32>], vector<16xf32>,
        %add3A_460 = arith.constant 152 : i32
        %add3A_461 = vector.broadcast %add3A_460 : i32 to vector<16xi32>
        %add3A_462 = arith.addi %add3A_461, %and3A_12 : vector<16xi32>
        %gather3A_463 = arith.constant 0 : i32
        %gather3A_464 = arith.constant 0 : i32
        %gather3A_465 = tpu.memref_slice %arg10[%and3A_87, %gather3A_463, %gather3A_464] : memref<2x40x272xf32, #tpu.memory_space<vmem>> -> memref<1x40x272xf32, #tpu.memory_space<vmem>>
        %gather3A_466 = tpu.memref_squeeze %gather3A_465 : memref<1x40x272xf32, #tpu.memory_space<vmem>> -> memref<40x272xf32, #tpu.memory_space<vmem>>
        %gather3A_467 = tpu.vector_load_idx %gather3A_466[%add3A_168, %add3A_462] : memref<40x272xf32, #tpu.memory_space<vmem>>[vector<16xi32>, vector<16xi32>], vector<16xf32>,
        %add3A_468 = arith.constant 24 : i32
        %add3A_469 = vector.broadcast %add3A_468 : i32 to vector<16xi32>
        %add3A_470 = arith.addi %add3A_469, %and3A_12 : vector<16xi32>
        %mul3A_471 = arith.mulf %exp3A, %gather3A_467 : vector<16xf32>
        tpu.vector_store_idx %arg12[%add3A_168, %add3A_470], %mul3A_471 : memref<40x144xf32, #tpu.memory_space<vmem>>[vector<16xi32>, vector<16xi32>], vector<16xf32>,
        %add3A_472 = arith.constant 160 : i32
        %add3A_473 = vector.broadcast %add3A_472 : i32 to vector<16xi32>
        %add3A_474 = arith.addi %add3A_473, %and3A_12 : vector<16xi32>
        %gather3A_475 = arith.constant 0 : i32
        %gather3A_476 = arith.constant 0 : i32
        %gather3A_477 = tpu.memref_slice %arg10[%and3A_87, %gather3A_475, %gather3A_476] : memref<2x40x272xf32, #tpu.memory_space<vmem>> -> memref<1x40x272xf32, #tpu.memory_space<vmem>>
        %gather3A_478 = tpu.memref_squeeze %gather3A_477 : memref<1x40x272xf32, #tpu.memory_space<vmem>> -> memref<40x272xf32, #tpu.memory_space<vmem>>
        %gather3A_479 = tpu.vector_load_idx %gather3A_478[%add3A_168, %add3A_474] : memref<40x272xf32, #tpu.memory_space<vmem>>[vector<16xi32>, vector<16xi32>], vector<16xf32>,
        %add3A_480 = arith.constant 32 : i32
        %add3A_481 = vector.broadcast %add3A_480 : i32 to vector<16xi32>
        %add3A_482 = arith.addi %add3A_481, %and3A_12 : vector<16xi32>
        %mul3A_483 = arith.mulf %exp3A, %gather3A_479 : vector<16xf32>
        tpu.vector_store_idx %arg12[%add3A_168, %add3A_482], %mul3A_483 : memref<40x144xf32, #tpu.memory_space<vmem>>[vector<16xi32>, vector<16xi32>], vector<16xf32>,
        %add3A_484 = arith.constant 168 : i32
        %add3A_485 = vector.broadcast %add3A_484 : i32 to vector<16xi32>
        %add3A_486 = arith.addi %add3A_485, %and3A_12 : vector<16xi32>
        %gather3A_487 = arith.constant 0 : i32
        %gather3A_488 = arith.constant 0 : i32
        %gather3A_489 = tpu.memref_slice %arg10[%and3A_87, %gather3A_487, %gather3A_488] : memref<2x40x272xf32, #tpu.memory_space<vmem>> -> memref<1x40x272xf32, #tpu.memory_space<vmem>>
        %gather3A_490 = tpu.memref_squeeze %gather3A_489 : memref<1x40x272xf32, #tpu.memory_space<vmem>> -> memref<40x272xf32, #tpu.memory_space<vmem>>
        %gather3A_491 = tpu.vector_load_idx %gather3A_490[%add3A_168, %add3A_486] : memref<40x272xf32, #tpu.memory_space<vmem>>[vector<16xi32>, vector<16xi32>], vector<16xf32>,
        %add3A_492 = arith.constant 40 : i32
        %add3A_493 = vector.broadcast %add3A_492 : i32 to vector<16xi32>
        %add3A_494 = arith.addi %add3A_493, %and3A_12 : vector<16xi32>
        %mul3A_495 = arith.mulf %exp3A, %gather3A_491 : vector<16xf32>
        tpu.vector_store_idx %arg12[%add3A_168, %add3A_494], %mul3A_495 : memref<40x144xf32, #tpu.memory_space<vmem>>[vector<16xi32>, vector<16xi32>], vector<16xf32>,
        %add3A_496 = arith.constant 176 : i32
        %add3A_497 = vector.broadcast %add3A_496 : i32 to vector<16xi32>
        %add3A_498 = arith.addi %add3A_497, %and3A_12 : vector<16xi32>
        %gather3A_499 = arith.constant 0 : i32
        %gather3A_500 = arith.constant 0 : i32
        %gather3A_501 = tpu.memref_slice %arg10[%and3A_87, %gather3A_499, %gather3A_500] : memref<2x40x272xf32, #tpu.memory_space<vmem>> -> memref<1x40x272xf32, #tpu.memory_space<vmem>>
        %gather3A_502 = tpu.memref_squeeze %gather3A_501 : memref<1x40x272xf32, #tpu.memory_space<vmem>> -> memref<40x272xf32, #tpu.memory_space<vmem>>
        %gather3A_503 = tpu.vector_load_idx %gather3A_502[%add3A_168, %add3A_498] : memref<40x272xf32, #tpu.memory_space<vmem>>[vector<16xi32>, vector<16xi32>], vector<16xf32>,
        %add3A_504 = arith.constant 48 : i32
        %add3A_505 = vector.broadcast %add3A_504 : i32 to vector<16xi32>
        %add3A_506 = arith.addi %add3A_505, %and3A_12 : vector<16xi32>
        %mul3A_507 = arith.mulf %exp3A, %gather3A_503 : vector<16xf32>
        tpu.vector_store_idx %arg12[%add3A_168, %add3A_506], %mul3A_507 : memref<40x144xf32, #tpu.memory_space<vmem>>[vector<16xi32>, vector<16xi32>], vector<16xf32>,
        %add3A_508 = arith.constant 184 : i32
        %add3A_509 = vector.broadcast %add3A_508 : i32 to vector<16xi32>
        %add3A_510 = arith.addi %add3A_509, %and3A_12 : vector<16xi32>
        %gather3A_511 = arith.constant 0 : i32
        %gather3A_512 = arith.constant 0 : i32
        %gather3A_513 = tpu.memref_slice %arg10[%and3A_87, %gather3A_511, %gather3A_512] : memref<2x40x272xf32, #tpu.memory_space<vmem>> -> memref<1x40x272xf32, #tpu.memory_space<vmem>>
        %gather3A_514 = tpu.memref_squeeze %gather3A_513 : memref<1x40x272xf32, #tpu.memory_space<vmem>> -> memref<40x272xf32, #tpu.memory_space<vmem>>
        %gather3A_515 = tpu.vector_load_idx %gather3A_514[%add3A_168, %add3A_510] : memref<40x272xf32, #tpu.memory_space<vmem>>[vector<16xi32>, vector<16xi32>], vector<16xf32>,
        %add3A_516 = arith.constant 56 : i32
        %add3A_517 = vector.broadcast %add3A_516 : i32 to vector<16xi32>
        %add3A_518 = arith.addi %add3A_517, %and3A_12 : vector<16xi32>
        %mul3A_519 = arith.mulf %exp3A, %gather3A_515 : vector<16xf32>
        tpu.vector_store_idx %arg12[%add3A_168, %add3A_518], %mul3A_519 : memref<40x144xf32, #tpu.memory_space<vmem>>[vector<16xi32>, vector<16xi32>], vector<16xf32>,
        %add3A_520 = arith.constant 192 : i32
        %add3A_521 = vector.broadcast %add3A_520 : i32 to vector<16xi32>
        %add3A_522 = arith.addi %add3A_521, %and3A_12 : vector<16xi32>
        %gather3A_523 = arith.constant 0 : i32
        %gather3A_524 = arith.constant 0 : i32
        %gather3A_525 = tpu.memref_slice %arg10[%and3A_87, %gather3A_523, %gather3A_524] : memref<2x40x272xf32, #tpu.memory_space<vmem>> -> memref<1x40x272xf32, #tpu.memory_space<vmem>>
        %gather3A_526 = tpu.memref_squeeze %gather3A_525 : memref<1x40x272xf32, #tpu.memory_space<vmem>> -> memref<40x272xf32, #tpu.memory_space<vmem>>
        %gather3A_527 = tpu.vector_load_idx %gather3A_526[%add3A_168, %add3A_522] : memref<40x272xf32, #tpu.memory_space<vmem>>[vector<16xi32>, vector<16xi32>], vector<16xf32>,
        %add3A_528 = arith.constant 64 : i32
        %add3A_529 = vector.broadcast %add3A_528 : i32 to vector<16xi32>
        %add3A_530 = arith.addi %add3A_529, %and3A_12 : vector<16xi32>
        %mul3A_531 = arith.mulf %exp3A, %gather3A_527 : vector<16xf32>
        tpu.vector_store_idx %arg12[%add3A_168, %add3A_530], %mul3A_531 : memref<40x144xf32, #tpu.memory_space<vmem>>[vector<16xi32>, vector<16xi32>], vector<16xf32>,
        %add3A_532 = arith.constant 200 : i32
        %add3A_533 = vector.broadcast %add3A_532 : i32 to vector<16xi32>
        %add3A_534 = arith.addi %add3A_533, %and3A_12 : vector<16xi32>
        %gather3A_535 = arith.constant 0 : i32
        %gather3A_536 = arith.constant 0 : i32
        %gather3A_537 = tpu.memref_slice %arg10[%and3A_87, %gather3A_535, %gather3A_536] : memref<2x40x272xf32, #tpu.memory_space<vmem>> -> memref<1x40x272xf32, #tpu.memory_space<vmem>>
        %gather3A_538 = tpu.memref_squeeze %gather3A_537 : memref<1x40x272xf32, #tpu.memory_space<vmem>> -> memref<40x272xf32, #tpu.memory_space<vmem>>
        %gather3A_539 = tpu.vector_load_idx %gather3A_538[%add3A_168, %add3A_534] : memref<40x272xf32, #tpu.memory_space<vmem>>[vector<16xi32>, vector<16xi32>], vector<16xf32>,
        %add3A_540 = arith.constant 72 : i32
        %add3A_541 = vector.broadcast %add3A_540 : i32 to vector<16xi32>
        %add3A_542 = arith.addi %add3A_541, %and3A_12 : vector<16xi32>
        %mul3A_543 = arith.mulf %exp3A, %gather3A_539 : vector<16xf32>
        tpu.vector_store_idx %arg12[%add3A_168, %add3A_542], %mul3A_543 : memref<40x144xf32, #tpu.memory_space<vmem>>[vector<16xi32>, vector<16xi32>], vector<16xf32>,
        %add3A_544 = arith.constant 208 : i32
        %add3A_545 = vector.broadcast %add3A_544 : i32 to vector<16xi32>
        %add3A_546 = arith.addi %add3A_545, %and3A_12 : vector<16xi32>
        %gather3A_547 = arith.constant 0 : i32
        %gather3A_548 = arith.constant 0 : i32
        %gather3A_549 = tpu.memref_slice %arg10[%and3A_87, %gather3A_547, %gather3A_548] : memref<2x40x272xf32, #tpu.memory_space<vmem>> -> memref<1x40x272xf32, #tpu.memory_space<vmem>>
        %gather3A_550 = tpu.memref_squeeze %gather3A_549 : memref<1x40x272xf32, #tpu.memory_space<vmem>> -> memref<40x272xf32, #tpu.memory_space<vmem>>
        %gather3A_551 = tpu.vector_load_idx %gather3A_550[%add3A_168, %add3A_546] : memref<40x272xf32, #tpu.memory_space<vmem>>[vector<16xi32>, vector<16xi32>], vector<16xf32>,
        %add3A_552 = arith.constant 80 : i32
        %add3A_553 = vector.broadcast %add3A_552 : i32 to vector<16xi32>
        %add3A_554 = arith.addi %add3A_553, %and3A_12 : vector<16xi32>
        %mul3A_555 = arith.mulf %exp3A, %gather3A_551 : vector<16xf32>
        tpu.vector_store_idx %arg12[%add3A_168, %add3A_554], %mul3A_555 : memref<40x144xf32, #tpu.memory_space<vmem>>[vector<16xi32>, vector<16xi32>], vector<16xf32>,
        %add3A_556 = arith.constant 216 : i32
        %add3A_557 = vector.broadcast %add3A_556 : i32 to vector<16xi32>
        %add3A_558 = arith.addi %add3A_557, %and3A_12 : vector<16xi32>
        %gather3A_559 = arith.constant 0 : i32
        %gather3A_560 = arith.constant 0 : i32
        %gather3A_561 = tpu.memref_slice %arg10[%and3A_87, %gather3A_559, %gather3A_560] : memref<2x40x272xf32, #tpu.memory_space<vmem>> -> memref<1x40x272xf32, #tpu.memory_space<vmem>>
        %gather3A_562 = tpu.memref_squeeze %gather3A_561 : memref<1x40x272xf32, #tpu.memory_space<vmem>> -> memref<40x272xf32, #tpu.memory_space<vmem>>
        %gather3A_563 = tpu.vector_load_idx %gather3A_562[%add3A_168, %add3A_558] : memref<40x272xf32, #tpu.memory_space<vmem>>[vector<16xi32>, vector<16xi32>], vector<16xf32>,
        %add3A_564 = arith.constant 88 : i32
        %add3A_565 = vector.broadcast %add3A_564 : i32 to vector<16xi32>
        %add3A_566 = arith.addi %add3A_565, %and3A_12 : vector<16xi32>
        %mul3A_567 = arith.mulf %exp3A, %gather3A_563 : vector<16xf32>
        tpu.vector_store_idx %arg12[%add3A_168, %add3A_566], %mul3A_567 : memref<40x144xf32, #tpu.memory_space<vmem>>[vector<16xi32>, vector<16xi32>], vector<16xf32>,
        %add3A_568 = arith.constant 224 : i32
        %add3A_569 = vector.broadcast %add3A_568 : i32 to vector<16xi32>
        %add3A_570 = arith.addi %add3A_569, %and3A_12 : vector<16xi32>
        %gather3A_571 = arith.constant 0 : i32
        %gather3A_572 = arith.constant 0 : i32
        %gather3A_573 = tpu.memref_slice %arg10[%and3A_87, %gather3A_571, %gather3A_572] : memref<2x40x272xf32, #tpu.memory_space<vmem>> -> memref<1x40x272xf32, #tpu.memory_space<vmem>>
        %gather3A_574 = tpu.memref_squeeze %gather3A_573 : memref<1x40x272xf32, #tpu.memory_space<vmem>> -> memref<40x272xf32, #tpu.memory_space<vmem>>
        %gather3A_575 = tpu.vector_load_idx %gather3A_574[%add3A_168, %add3A_570] : memref<40x272xf32, #tpu.memory_space<vmem>>[vector<16xi32>, vector<16xi32>], vector<16xf32>,
        %add3A_576 = arith.constant 96 : i32
        %add3A_577 = vector.broadcast %add3A_576 : i32 to vector<16xi32>
        %add3A_578 = arith.addi %add3A_577, %and3A_12 : vector<16xi32>
        %mul3A_579 = arith.mulf %exp3A, %gather3A_575 : vector<16xf32>
        tpu.vector_store_idx %arg12[%add3A_168, %add3A_578], %mul3A_579 : memref<40x144xf32, #tpu.memory_space<vmem>>[vector<16xi32>, vector<16xi32>], vector<16xf32>,
        %add3A_580 = arith.constant 232 : i32
        %add3A_581 = vector.broadcast %add3A_580 : i32 to vector<16xi32>
        %add3A_582 = arith.addi %add3A_581, %and3A_12 : vector<16xi32>
        %gather3A_583 = arith.constant 0 : i32
        %gather3A_584 = arith.constant 0 : i32
        %gather3A_585 = tpu.memref_slice %arg10[%and3A_87, %gather3A_583, %gather3A_584] : memref<2x40x272xf32, #tpu.memory_space<vmem>> -> memref<1x40x272xf32, #tpu.memory_space<vmem>>
        %gather3A_586 = tpu.memref_squeeze %gather3A_585 : memref<1x40x272xf32, #tpu.memory_space<vmem>> -> memref<40x272xf32, #tpu.memory_space<vmem>>
        %gather3A_587 = tpu.vector_load_idx %gather3A_586[%add3A_168, %add3A_582] : memref<40x272xf32, #tpu.memory_space<vmem>>[vector<16xi32>, vector<16xi32>], vector<16xf32>,
        %add3A_588 = arith.constant 104 : i32
        %add3A_589 = vector.broadcast %add3A_588 : i32 to vector<16xi32>
        %add3A_590 = arith.addi %add3A_589, %and3A_12 : vector<16xi32>
        %mul3A_591 = arith.mulf %exp3A, %gather3A_587 : vector<16xf32>
        tpu.vector_store_idx %arg12[%add3A_168, %add3A_590], %mul3A_591 : memref<40x144xf32, #tpu.memory_space<vmem>>[vector<16xi32>, vector<16xi32>], vector<16xf32>,
        %add3A_592 = arith.constant 240 : i32
        %add3A_593 = vector.broadcast %add3A_592 : i32 to vector<16xi32>
        %add3A_594 = arith.addi %add3A_593, %and3A_12 : vector<16xi32>
        %gather3A_595 = arith.constant 0 : i32
        %gather3A_596 = arith.constant 0 : i32
        %gather3A_597 = tpu.memref_slice %arg10[%and3A_87, %gather3A_595, %gather3A_596] : memref<2x40x272xf32, #tpu.memory_space<vmem>> -> memref<1x40x272xf32, #tpu.memory_space<vmem>>
        %gather3A_598 = tpu.memref_squeeze %gather3A_597 : memref<1x40x272xf32, #tpu.memory_space<vmem>> -> memref<40x272xf32, #tpu.memory_space<vmem>>
        %gather3A_599 = tpu.vector_load_idx %gather3A_598[%add3A_168, %add3A_594] : memref<40x272xf32, #tpu.memory_space<vmem>>[vector<16xi32>, vector<16xi32>], vector<16xf32>,
        %add3A_600 = arith.constant 112 : i32
        %add3A_601 = vector.broadcast %add3A_600 : i32 to vector<16xi32>
        %add3A_602 = arith.addi %add3A_601, %and3A_12 : vector<16xi32>
        %mul3A_603 = arith.mulf %exp3A, %gather3A_599 : vector<16xf32>
        tpu.vector_store_idx %arg12[%add3A_168, %add3A_602], %mul3A_603 : memref<40x144xf32, #tpu.memory_space<vmem>>[vector<16xi32>, vector<16xi32>], vector<16xf32>,
        %add3A_604 = arith.constant 248 : i32
        %add3A_605 = vector.broadcast %add3A_604 : i32 to vector<16xi32>
        %add3A_606 = arith.addi %add3A_605, %and3A_12 : vector<16xi32>
        %gather3A_607 = arith.constant 0 : i32
        %gather3A_608 = arith.constant 0 : i32
        %gather3A_609 = tpu.memref_slice %arg10[%and3A_87, %gather3A_607, %gather3A_608] : memref<2x40x272xf32, #tpu.memory_space<vmem>> -> memref<1x40x272xf32, #tpu.memory_space<vmem>>
        %gather3A_610 = tpu.memref_squeeze %gather3A_609 : memref<1x40x272xf32, #tpu.memory_space<vmem>> -> memref<40x272xf32, #tpu.memory_space<vmem>>
        %gather3A_611 = tpu.vector_load_idx %gather3A_610[%add3A_168, %add3A_606] : memref<40x272xf32, #tpu.memory_space<vmem>>[vector<16xi32>, vector<16xi32>], vector<16xf32>,
        %add3A_612 = arith.constant 120 : i32
        %add3A_613 = vector.broadcast %add3A_612 : i32 to vector<16xi32>
        %add3A_614 = arith.addi %add3A_613, %and3A_12 : vector<16xi32>
        %mul3A_615 = arith.mulf %exp3A, %gather3A_611 : vector<16xf32>
        tpu.vector_store_idx %arg12[%add3A_168, %add3A_614], %mul3A_615 : memref<40x144xf32, #tpu.memory_space<vmem>>[vector<16xi32>, vector<16xi32>], vector<16xf32>,
        %add3A_616 = arith.constant 256 : i32
        %add3A_617 = vector.broadcast %add3A_616 : i32 to vector<16xi32>
        %add3A_618 = arith.addi %add3A_617, %and3A_12 : vector<16xi32>
        %gather3A_619 = arith.constant 0 : i32
        %gather3A_620 = arith.constant 0 : i32
        %gather3A_621 = tpu.memref_slice %arg10[%and3A_87, %gather3A_619, %gather3A_620] : memref<2x40x272xf32, #tpu.memory_space<vmem>> -> memref<1x40x272xf32, #tpu.memory_space<vmem>>
        %gather3A_622 = tpu.memref_squeeze %gather3A_621 : memref<1x40x272xf32, #tpu.memory_space<vmem>> -> memref<40x272xf32, #tpu.memory_space<vmem>>
        %gather3A_623 = tpu.vector_load_idx %gather3A_622[%add3A_168, %add3A_618] : memref<40x272xf32, #tpu.memory_space<vmem>>[vector<16xi32>, vector<16xi32>], vector<16xf32>,
        %add3A_624 = arith.constant 128 : i32
        %add3A_625 = vector.broadcast %add3A_624 : i32 to vector<16xi32>
        %add3A_626 = arith.addi %add3A_625, %and3A_12 : vector<16xi32>
        %mul3A_627 = arith.mulf %exp3A, %gather3A_623 : vector<16xf32>
        tpu.vector_store_idx %arg12[%add3A_168, %add3A_626], %mul3A_627 : memref<40x144xf32, #tpu.memory_space<vmem>>[vector<16xi32>, vector<16xi32>], vector<16xf32>,
        %add3A_628 = arith.constant 264 : i32
        %add3A_629 = vector.broadcast %add3A_628 : i32 to vector<16xi32>
        %add3A_630 = arith.addi %add3A_629, %and3A_12 : vector<16xi32>
        %gather3A_631 = arith.constant 0 : i32
        %gather3A_632 = arith.constant 0 : i32
        %gather3A_633 = tpu.memref_slice %arg10[%and3A_87, %gather3A_631, %gather3A_632] : memref<2x40x272xf32, #tpu.memory_space<vmem>> -> memref<1x40x272xf32, #tpu.memory_space<vmem>>
        %gather3A_634 = tpu.memref_squeeze %gather3A_633 : memref<1x40x272xf32, #tpu.memory_space<vmem>> -> memref<40x272xf32, #tpu.memory_space<vmem>>
        %gather3A_635 = tpu.vector_load_idx %gather3A_634[%add3A_168, %add3A_630] : memref<40x272xf32, #tpu.memory_space<vmem>>[vector<16xi32>, vector<16xi32>], vector<16xf32>,
        %add3A_636 = arith.constant 136 : i32
        %add3A_637 = vector.broadcast %add3A_636 : i32 to vector<16xi32>
        %add3A_638 = arith.addi %add3A_637, %and3A_12 : vector<16xi32>
        %mul3A_639 = arith.mulf %exp3A, %gather3A_635 : vector<16xf32>
        tpu.vector_store_idx %arg12[%add3A_168, %add3A_638], %mul3A_639 : memref<40x144xf32, #tpu.memory_space<vmem>>[vector<16xi32>, vector<16xi32>], vector<16xf32>,
      }
      %scan3A_157 = arith.constant 20 : i32
      %dma_start3A_158 = arith.constant 0 : i32
      %dma_start3A_159 = tpu.memref_slice %arg14[%and3A_93, %and3A_91, %dma_start3A_158] : memref<2x8x40xi32, #tpu.memory_space<vmem>> -> memref<1x1x40xi32, #tpu.memory_space<vmem>>
      %dma_start3A_160 = tpu.memref_squeeze %dma_start3A_159 : memref<1x1x40xi32, #tpu.memory_space<vmem>> -> memref<40xi32, #tpu.memory_space<vmem>>
      %dma_start3A_161 = arith.constant 0 : i32
      %dma_start3A_162 = arith.constant 0 : i32
      %dma_start3A_163 = tpu.memref_slice %arg15[%dma_start3A_161, %dma_start3A_162] : memref<10000x144xf32, #tpu.memory_space<vmem_shared>> -> memref<10000x144xf32, #tpu.memory_space<vmem_shared>>
      tpu.enqueue_indirect_dma source(%arg12 : memref<40x144xf32, #tpu.memory_space<vmem>>) target(%dma_start3A_163 : memref<10000x144xf32, #tpu.memory_space<vmem_shared>>) offsets(%dma_start3A_160 : memref<40xi32, #tpu.memory_space<vmem>>) semaphore(%arg18 : memref<!tpu.dma_semaphore, #tpu.memory_space<semaphore_mem>>) {add = true}
    }
    %scan3A_66 = arith.constant 250 : i32
    %dma_wait3A = arith.constant 1 : i32
    %dma_wait3A_67 = arith.constant 1 : i32
    %dma_wait3A_68 = arith.constant 0 : i32
    %dma_wait3A_69 = tpu.memref_slice %arg14[%dma_wait3A, %dma_wait3A_67, %dma_wait3A_68] : memref<2x8x40xi32, #tpu.memory_space<vmem>> -> memref<1x1x40xi32, #tpu.memory_space<vmem>>
    %dma_wait3A_70 = tpu.memref_squeeze %dma_wait3A_69 : memref<1x1x40xi32, #tpu.memory_space<vmem>> -> memref<40xi32, #tpu.memory_space<vmem>>
    %dma_wait3A_71 = arith.constant 0 : i32
    %dma_wait3A_72 = arith.constant 0 : i32
    %dma_wait3A_73 = tpu.memref_slice %arg15[%dma_wait3A_71, %dma_wait3A_72] : memref<10000x144xf32, #tpu.memory_space<vmem_shared>> -> memref<10000x144xf32, #tpu.memory_space<vmem_shared>>
    tpu.wait_indirect_dma semaphore(%arg18 : memref<!tpu.dma_semaphore, #tpu.memory_space<semaphore_mem>>) src(%arg12 : memref<40x144xf32, #tpu.memory_space<vmem>>) dst(%dma_wait3A_73 : memref<10000x144xf32, #tpu.memory_space<vmem_shared>>)
    %barrier3A_74 = arith.constant 0 : index
    tpu.barrier barrier_id(%barrier3A_74)
    %lt3A_75 = arith.constant 15 : i32
    %lt3A_76 = arith.cmpi slt, %arg1, %lt3A_75 : i32
    %convert_element_type3A_77 = arith.extui %lt3A_76 : i1 to i32
    %cond3A_78 = arith.constant 0 : i32
    %cond3A_79 = arith.cmpi ne, %convert_element_type3A_77, %cond3A_78 : i32
    scf.if %cond3A_79 {
      %mul3A_85 = arith.constant 624 : i32
      %mul3A_86 = arith.muli %arg1, %mul3A_85 : i32
      %mul3A_87 = arith.constant 10000 : i32
      %mul3A_88 = arith.muli %arg0, %mul3A_87 : i32
      %mul3A_89 = arith.constant 624 : i32
      %mul3A_90 = arith.muli %arg1, %mul3A_89 : i32
      %add3A_91 = arith.addi %mul3A_88, %mul3A_90 : i32
      "tpu.region"() ({
        %run_scoped3A_92 = tpu.sem_alloc : memref<!tpu.dma_semaphore, #tpu.memory_space<semaphore_mem>>
        %dma_start3A_93 = arith.constant 0 : i32
        %dma_start3A_94 = tpu.memref_slice %arg8[%add3A_91, %dma_start3A_93] : memref<20000x144xf32, #tpu.memory_space<hbm>> -> memref<624x144xf32, #tpu.memory_space<hbm>>
        %dma_start3A_95 = arith.constant 0 : i32
        %dma_start3A_96 = tpu.memref_slice %arg15[%mul3A_86, %dma_start3A_95] : memref<10000x144xf32, #tpu.memory_space<vmem_shared>> -> memref<624x144xf32, #tpu.memory_space<vmem_shared>>
        tpu.enqueue_dma source(%dma_start3A_96 : memref<624x144xf32, #tpu.memory_space<vmem_shared>>) target(%dma_start3A_94 : memref<624x144xf32, #tpu.memory_space<hbm>>) target_semaphore(%run_scoped3A_92 : memref<!tpu.dma_semaphore, #tpu.memory_space<semaphore_mem>>)
        %dma_wait3A_97 = arith.constant 0 : i32
        %dma_wait3A_98 = tpu.memref_slice %arg8[%add3A_91, %dma_wait3A_97] : memref<20000x144xf32, #tpu.memory_space<hbm>> -> memref<624x144xf32, #tpu.memory_space<hbm>>
        %dma_wait3A_99 = arith.constant 0 : i32
        %dma_wait3A_100 = tpu.memref_slice %arg15[%mul3A_86, %dma_wait3A_99] : memref<10000x144xf32, #tpu.memory_space<vmem_shared>> -> memref<624x144xf32, #tpu.memory_space<vmem_shared>>
        tpu.wait_dma2 semaphore(%run_scoped3A_92 : memref<!tpu.dma_semaphore, #tpu.memory_space<semaphore_mem>>) src(%dma_wait3A_100 : memref<624x144xf32, #tpu.memory_space<vmem_shared>>) dst(%dma_wait3A_98 : memref<624x144xf32, #tpu.memory_space<hbm>>)
        tpu.yield
      }) : () -> ()
    } else {
    }
    %eq3A_80 = arith.constant 15 : i32
    %eq3A_81 = arith.cmpi eq, %arg1, %eq3A_80 : i32
    %convert_element_type3A_82 = arith.extui %eq3A_81 : i1 to i32
    %cond3A_83 = arith.constant 0 : i32
    %cond3A_84 = arith.cmpi ne, %convert_element_type3A_82, %cond3A_83 : i32
    scf.if %cond3A_84 {
      %mul3A_85 = arith.constant 10000 : i32
      %mul3A_86 = arith.muli %arg0, %mul3A_85 : i32
      %add3A_87 = arith.constant 9360 : i32
      %add3A_88 = arith.addi %mul3A_86, %add3A_87 : i32
      "tpu.region"() ({
        %run_scoped3A_89 = tpu.sem_alloc : memref<!tpu.dma_semaphore, #tpu.memory_space<semaphore_mem>>
        %dma_start3A_90 = arith.constant 0 : i32
        %dma_start3A_91 = tpu.memref_slice %arg8[%add3A_88, %dma_start3A_90] : memref<20000x144xf32, #tpu.memory_space<hbm>> -> memref<640x144xf32, #tpu.memory_space<hbm>>
        %dma_start3A_92 = arith.constant 9360 : i32
        %dma_start3A_93 = arith.constant 0 : i32
        %dma_start3A_94 = tpu.memref_slice %arg15[%dma_start3A_92, %dma_start3A_93] : memref<10000x144xf32, #tpu.memory_space<vmem_shared>> -> memref<640x144xf32, #tpu.memory_space<vmem_shared>>
        tpu.enqueue_dma source(%dma_start3A_94 : memref<640x144xf32, #tpu.memory_space<vmem_shared>>) target(%dma_start3A_91 : memref<640x144xf32, #tpu.memory_space<hbm>>) target_semaphore(%run_scoped3A_89 : memref<!tpu.dma_semaphore, #tpu.memory_space<semaphore_mem>>)
        %dma_wait3A_95 = arith.constant 0 : i32
        %dma_wait3A_96 = tpu.memref_slice %arg8[%add3A_88, %dma_wait3A_95] : memref<20000x144xf32, #tpu.memory_space<hbm>> -> memref<640x144xf32, #tpu.memory_space<hbm>>
        %dma_wait3A_97 = arith.constant 9360 : i32
        %dma_wait3A_98 = arith.constant 0 : i32
        %dma_wait3A_99 = tpu.memref_slice %arg15[%dma_wait3A_97, %dma_wait3A_98] : memref<10000x144xf32, #tpu.memory_space<vmem_shared>> -> memref<640x144xf32, #tpu.memory_space<vmem_shared>>
        tpu.wait_dma2 semaphore(%run_scoped3A_89 : memref<!tpu.dma_semaphore, #tpu.memory_space<semaphore_mem>>) src(%dma_wait3A_99 : memref<640x144xf32, #tpu.memory_space<vmem_shared>>) dst(%dma_wait3A_96 : memref<640x144xf32, #tpu.memory_space<hbm>>)
        tpu.yield
      }) : () -> ()
    } else {
    }
    return
  }
}

module attributes {stable_mosaic.version = 14 : i64} {
  func.func @_tables_body(%arg0: i32, %arg1: memref<400x129xf32, #tpu.memory_space<vmem>>, %arg2: memref<129x128xf32, #tpu.memory_space<vmem>>, %arg3: memref<1x128xf32, #tpu.memory_space<vmem>>, %arg4: memref<129x128xf32, #tpu.memory_space<vmem>>, %arg5: memref<1x128xf32, #tpu.memory_space<vmem>>, %arg6: memref<129x128xf32, #tpu.memory_space<vmem>>, %arg7: memref<1x128xf32, #tpu.memory_space<vmem>>, %arg8: memref<128x8xf32, #tpu.memory_space<vmem>>, %arg9: memref<400x144xf32, #tpu.memory_space<vmem>>, %arg10: memref<400x272xf32, #tpu.memory_space<vmem>>) attributes {dimension_semantics = [#tpu.dimension_semantics<arbitrary>], iteration_bounds = array<i64: 25>, scalar_prefetch = 0 : i64, scratch_operands = 0 : i64, tpu.core_type = #tpu.core_type<tc>, window_params = [{transform_indices = @transform_0, window_bounds = array<i64: 400, 129>}, {pipeline_mode = #tpu.pipeline_mode<synchronous>, transform_indices = @transform_1, window_bounds = array<i64: 129, 128>}, {pipeline_mode = #tpu.pipeline_mode<synchronous>, transform_indices = @transform_2, window_bounds = array<i64: 1, 128>}, {pipeline_mode = #tpu.pipeline_mode<synchronous>, transform_indices = @transform_3, window_bounds = array<i64: 129, 128>}, {pipeline_mode = #tpu.pipeline_mode<synchronous>, transform_indices = @transform_4, window_bounds = array<i64: 1, 128>}, {pipeline_mode = #tpu.pipeline_mode<synchronous>, transform_indices = @transform_5, window_bounds = array<i64: 129, 128>}, {pipeline_mode = #tpu.pipeline_mode<synchronous>, transform_indices = @transform_6, window_bounds = array<i64: 1, 128>}, {pipeline_mode = #tpu.pipeline_mode<synchronous>, transform_indices = @transform_7, window_bounds = array<i64: 128, 8>}, {transform_indices = @transform_8, window_bounds = array<i64: 400, 144>}, {transform_indices = @transform_9, window_bounds = array<i64: 400, 272>}]} {
    %get3A = arith.constant 0 : index
    %get3A_0 = arith.constant 0 : index
    %get3A_1 = vector.load %arg1[%get3A, %get3A_0] : memref<400x129xf32, #tpu.memory_space<vmem>>, vector<400x129xf32>
    %get3A_2 = arith.constant 0 : index
    %get3A_3 = arith.constant 0 : index
    %get3A_4 = vector.load %arg8[%get3A_2, %get3A_3] : memref<128x8xf32, #tpu.memory_space<vmem>>, vector<128x8xf32>
    %broadcast_in_dim3A = arith.constant 0.000000e+00 : f32
    %broadcast_in_dim3A_5 = vector.broadcast %broadcast_in_dim3A : f32 to vector<400x8xf32>
    %get3A_6 = arith.constant 0 : index
    %get3A_7 = arith.constant 0 : index
    %get3A_8 = vector.load %arg2[%get3A_6, %get3A_7] : memref<129x128xf32, #tpu.memory_space<vmem>>, vector<129x128xf32>
    %dot_general3A = arith.constant dense<0.000000e+00> : vector<400x128xf32>
    %dot_general3A_9 = tpu.matmul %get3A_1, %get3A_8, %dot_general3A {dimension_numbers = #tpu.dot_dimension_numbers<[1], [0], [0], [1], [0, 0, 1, 1], [], []>, transpose_lhs_hint = false} : vector<400x129xf32>, vector<129x128xf32>, vector<400x128xf32> -> vector<400x128xf32>
    %get3A_10 = arith.constant 0 : index
    %get3A_11 = arith.constant 0 : index
    %get3A_12 = vector.load %arg3[%get3A_10, %get3A_11] : memref<1x128xf32, #tpu.memory_space<vmem>>, vector<1x128xf32>
    %add3A = vector.broadcast %get3A_12 : vector<1x128xf32> to vector<400x128xf32>
    %add3A_13 = arith.addf %dot_general3A_9, %add3A : vector<400x128xf32>
    %mul3A = arith.mulf %add3A_13, %add3A_13 : vector<400x128xf32>
    %dot_general3A_14 = arith.constant dense<0.000000e+00> : vector<400x8xf32>
    %dot_general3A_15 = tpu.matmul %mul3A, %get3A_4, %dot_general3A_14 {dimension_numbers = #tpu.dot_dimension_numbers<[1], [0], [0], [1], [0, 0, 1, 1], [], []>, transpose_lhs_hint = false} : vector<400x128xf32>, vector<128x8xf32>, vector<400x8xf32> -> vector<400x8xf32>
    %add3A_16 = arith.constant 1.000000e+00 : f32
    %add3A_17 = vector.broadcast %add3A_16 : f32 to vector<400x8xf32>
    %add3A_18 = arith.addf %dot_general3A_15, %add3A_17 : vector<400x8xf32>
    %sqrt3A = math.sqrt %add3A_18 : vector<400x8xf32>
    %neg3A = arith.constant 0.000000e+00 : f32
    %neg3A_19 = vector.broadcast %neg3A : f32 to vector<400x8xf32>
    %neg3A_20 = arith.subf %neg3A_19, %sqrt3A : vector<400x8xf32>
    %concatenate3A = tpu.concatenate %neg3A_20, %add3A_13, %broadcast_in_dim3A_5 in 1 : vector<400x8xf32>, vector<400x128xf32>, vector<400x8xf32> -> vector<400x144xf32>
    %swap3A = arith.constant 0 : index
    %swap3A_21 = arith.constant 0 : index
    %swap3A_22 = vector.load %arg9[%swap3A, %swap3A_21] : memref<400x144xf32, #tpu.memory_space<vmem>>, vector<400x144xf32>
    tpu.vector_store %arg9[%swap3A, %swap3A_21], %concatenate3A {strides = array<i32>} : memref<400x144xf32, #tpu.memory_space<vmem>>, vector<400x144xf32>,
    %get3A_23 = arith.constant 0 : index
    %get3A_24 = arith.constant 0 : index
    %get3A_25 = vector.load %arg4[%get3A_23, %get3A_24] : memref<129x128xf32, #tpu.memory_space<vmem>>, vector<129x128xf32>
    %dot_general3A_26 = arith.constant dense<0.000000e+00> : vector<400x128xf32>
    %dot_general3A_27 = tpu.matmul %get3A_1, %get3A_25, %dot_general3A_26 {dimension_numbers = #tpu.dot_dimension_numbers<[1], [0], [0], [1], [0, 0, 1, 1], [], []>, transpose_lhs_hint = false} : vector<400x129xf32>, vector<129x128xf32>, vector<400x128xf32> -> vector<400x128xf32>
    %get3A_28 = arith.constant 0 : index
    %get3A_29 = arith.constant 0 : index
    %get3A_30 = vector.load %arg5[%get3A_28, %get3A_29] : memref<1x128xf32, #tpu.memory_space<vmem>>, vector<1x128xf32>
    %add3A_31 = vector.broadcast %get3A_30 : vector<1x128xf32> to vector<400x128xf32>
    %add3A_32 = arith.addf %dot_general3A_27, %add3A_31 : vector<400x128xf32>
    %mul3A_33 = arith.mulf %add3A_32, %add3A_32 : vector<400x128xf32>
    %dot_general3A_34 = arith.constant dense<0.000000e+00> : vector<400x8xf32>
    %dot_general3A_35 = tpu.matmul %mul3A_33, %get3A_4, %dot_general3A_34 {dimension_numbers = #tpu.dot_dimension_numbers<[1], [0], [0], [1], [0, 0, 1, 1], [], []>, transpose_lhs_hint = false} : vector<400x128xf32>, vector<128x8xf32>, vector<400x8xf32> -> vector<400x8xf32>
    %add3A_36 = arith.constant 1.000000e+00 : f32
    %add3A_37 = vector.broadcast %add3A_36 : f32 to vector<400x8xf32>
    %add3A_38 = arith.addf %dot_general3A_35, %add3A_37 : vector<400x8xf32>
    %sqrt3A_39 = math.sqrt %add3A_38 : vector<400x8xf32>
    %get3A_40 = arith.constant 0 : index
    %get3A_41 = arith.constant 0 : index
    %get3A_42 = vector.load %arg6[%get3A_40, %get3A_41] : memref<129x128xf32, #tpu.memory_space<vmem>>, vector<129x128xf32>
    %dot_general3A_43 = arith.constant dense<0.000000e+00> : vector<400x128xf32>
    %dot_general3A_44 = tpu.matmul %get3A_1, %get3A_42, %dot_general3A_43 {dimension_numbers = #tpu.dot_dimension_numbers<[1], [0], [0], [1], [0, 0, 1, 1], [], []>, transpose_lhs_hint = false} : vector<400x129xf32>, vector<129x128xf32>, vector<400x128xf32> -> vector<400x128xf32>
    %get3A_45 = arith.constant 0 : index
    %get3A_46 = arith.constant 0 : index
    %get3A_47 = vector.load %arg7[%get3A_45, %get3A_46] : memref<1x128xf32, #tpu.memory_space<vmem>>, vector<1x128xf32>
    %add3A_48 = vector.broadcast %get3A_47 : vector<1x128xf32> to vector<400x128xf32>
    %add3A_49 = arith.addf %dot_general3A_44, %add3A_48 : vector<400x128xf32>
    %mul3A_50 = arith.mulf %add3A_49, %add3A_49 : vector<400x128xf32>
    %dot_general3A_51 = arith.constant dense<0.000000e+00> : vector<400x8xf32>
    %dot_general3A_52 = tpu.matmul %mul3A_50, %get3A_4, %dot_general3A_51 {dimension_numbers = #tpu.dot_dimension_numbers<[1], [0], [0], [1], [0, 0, 1, 1], [], []>, transpose_lhs_hint = false} : vector<400x128xf32>, vector<128x8xf32>, vector<400x8xf32> -> vector<400x8xf32>
    %add3A_53 = arith.constant 1.000000e+00 : f32
    %add3A_54 = vector.broadcast %add3A_53 : f32 to vector<400x8xf32>
    %add3A_55 = arith.addf %dot_general3A_52, %add3A_54 : vector<400x8xf32>
    %sqrt3A_56 = math.sqrt %add3A_55 : vector<400x8xf32>
    %concatenate3A_57 = tpu.concatenate %sqrt3A_39, %add3A_32, %sqrt3A_56, %add3A_49 in 1 : vector<400x8xf32>, vector<400x128xf32>, vector<400x8xf32>, vector<400x128xf32> -> vector<400x272xf32>
    %swap3A_58 = arith.constant 0 : index
    %swap3A_59 = arith.constant 0 : index
    %swap3A_60 = vector.load %arg10[%swap3A_58, %swap3A_59] : memref<400x272xf32, #tpu.memory_space<vmem>>, vector<400x272xf32>
    tpu.vector_store %arg10[%swap3A_58, %swap3A_59], %concatenate3A_57 {strides = array<i32>} : memref<400x272xf32, #tpu.memory_space<vmem>>, vector<400x272xf32>,
    return
  }
  func.func @transform_0(%arg0: i32) -> (i32, i32) {
    %c0_i32 = arith.constant 0 : i32
    %c0_i32_0 = arith.constant 0 : i32
    return %arg0, %c0_i32 : i32, i32
  }
  func.func @transform_1(%arg0: i32) -> (i32, i32) {
    %c0_i32 = arith.constant 0 : i32
    %c0_i32_0 = arith.constant 0 : i32
    %c0_i32_1 = arith.constant 0 : i32
    return %c0_i32, %c0_i32_0 : i32, i32
  }
  func.func @transform_2(%arg0: i32) -> (i32, i32) {
    %c0_i32 = arith.constant 0 : i32
    %c0_i32_0 = arith.constant 0 : i32
    %c0_i32_1 = arith.constant 0 : i32
    return %c0_i32, %c0_i32_0 : i32, i32
  }
  func.func @transform_3(%arg0: i32) -> (i32, i32) {
    %c0_i32 = arith.constant 0 : i32
    %c0_i32_0 = arith.constant 0 : i32
    %c0_i32_1 = arith.constant 0 : i32
    return %c0_i32, %c0_i32_0 : i32, i32
  }
  func.func @transform_4(%arg0: i32) -> (i32, i32) {
    %c0_i32 = arith.constant 0 : i32
    %c0_i32_0 = arith.constant 0 : i32
    %c0_i32_1 = arith.constant 0 : i32
    return %c0_i32, %c0_i32_0 : i32, i32
  }
  func.func @transform_5(%arg0: i32) -> (i32, i32) {
    %c0_i32 = arith.constant 0 : i32
    %c0_i32_0 = arith.constant 0 : i32
    %c0_i32_1 = arith.constant 0 : i32
    return %c0_i32, %c0_i32_0 : i32, i32
  }
  func.func @transform_6(%arg0: i32) -> (i32, i32) {
    %c0_i32 = arith.constant 0 : i32
    %c0_i32_0 = arith.constant 0 : i32
    %c0_i32_1 = arith.constant 0 : i32
    return %c0_i32, %c0_i32_0 : i32, i32
  }
  func.func @transform_7(%arg0: i32) -> (i32, i32) {
    %c0_i32 = arith.constant 0 : i32
    %c0_i32_0 = arith.constant 0 : i32
    %c0_i32_1 = arith.constant 0 : i32
    return %c0_i32, %c0_i32_0 : i32, i32
  }
  func.func @transform_8(%arg0: i32) -> (i32, i32) {
    %c0_i32 = arith.constant 0 : i32
    %c0_i32_0 = arith.constant 0 : i32
    return %arg0, %c0_i32 : i32, i32
  }
  func.func @transform_9(%arg0: i32) -> (i32, i32) {
    %c0_i32 = arith.constant 0 : i32
    %c0_i32_0 = arith.constant 0 : i32
    return %arg0, %c0_i32 : i32, i32
  }
}

module attributes {stable_mosaic.version = 14 : i64} {
  func.func @_edge_bias_body(%arg0: i32, %arg1: memref<8000x16xf32, #tpu.memory_space<vmem>>, %arg2: memref<16x8xf32, #tpu.memory_space<vmem>>, %arg3: memref<8000x8xf32, #tpu.memory_space<vmem>>) attributes {dimension_semantics = [#tpu.dimension_semantics<arbitrary>], iteration_bounds = array<i64: 40>, scalar_prefetch = 0 : i64, scratch_operands = 0 : i64, tpu.core_type = #tpu.core_type<tc>, window_params = [{transform_indices = @transform_0, window_bounds = array<i64: 8000, 16>}, {pipeline_mode = #tpu.pipeline_mode<synchronous>, transform_indices = @transform_1, window_bounds = array<i64: 16, 8>}, {transform_indices = @transform_2, window_bounds = array<i64: 8000, 8>}]} {
    %get3A = arith.constant 0 : index
    %get3A_0 = arith.constant 0 : index
    %get3A_1 = vector.load %arg1[%get3A, %get3A_0] : memref<8000x16xf32, #tpu.memory_space<vmem>>, vector<8000x16xf32>
    %get3A_2 = arith.constant 0 : index
    %get3A_3 = arith.constant 0 : index
    %get3A_4 = vector.load %arg2[%get3A_2, %get3A_3] : memref<16x8xf32, #tpu.memory_space<vmem>>, vector<16x8xf32>
    %dot_general3A = arith.constant dense<0.000000e+00> : vector<8000x8xf32>
    %dot_general3A_5 = tpu.matmul %get3A_1, %get3A_4, %dot_general3A {dimension_numbers = #tpu.dot_dimension_numbers<[1], [0], [0], [1], [0, 0, 1, 1], [], []>, transpose_lhs_hint = false} : vector<8000x16xf32>, vector<16x8xf32>, vector<8000x8xf32> -> vector<8000x8xf32>
    %swap3A = arith.constant 0 : index
    %swap3A_6 = arith.constant 0 : index
    %swap3A_7 = vector.load %arg3[%swap3A, %swap3A_6] : memref<8000x8xf32, #tpu.memory_space<vmem>>, vector<8000x8xf32>
    tpu.vector_store %arg3[%swap3A, %swap3A_6], %dot_general3A_5 {strides = array<i32>} : memref<8000x8xf32, #tpu.memory_space<vmem>>, vector<8000x8xf32>,
    return
  }
  func.func @transform_0(%arg0: i32) -> (i32, i32) {
    %c0_i32 = arith.constant 0 : i32
    %c0_i32_0 = arith.constant 0 : i32
    return %arg0, %c0_i32 : i32, i32
  }
  func.func @transform_1(%arg0: i32) -> (i32, i32) {
    %c0_i32 = arith.constant 0 : i32
    %c0_i32_0 = arith.constant 0 : i32
    %c0_i32_1 = arith.constant 0 : i32
    return %c0_i32, %c0_i32_0 : i32, i32
  }
  func.func @transform_2(%arg0: i32) -> (i32, i32) {
    %c0_i32 = arith.constant 0 : i32
    %c0_i32_0 = arith.constant 0 : i32
    return %arg0, %c0_i32 : i32, i32
  }
}

module attributes {stable_mosaic.version = 14 : i64} {
  func.func @_final_body(%arg0: i32, %arg1: memref<400x144xf32, #tpu.memory_space<vmem>>, %arg2: memref<400x144xf32, #tpu.memory_space<vmem>>, %arg3: memref<136x8xf32, #tpu.memory_space<vmem>>, %arg4: memref<128x128xf32, #tpu.memory_space<vmem>>, %arg5: memref<1x128xf32, #tpu.memory_space<vmem>>, %arg6: memref<128x128xf32, #tpu.memory_space<vmem>>, %arg7: memref<1x128xf32, #tpu.memory_space<vmem>>, %arg8: memref<400x129xf32, #tpu.memory_space<vmem>>) attributes {dimension_semantics = [#tpu.dimension_semantics<arbitrary>], iteration_bounds = array<i64: 25>, scalar_prefetch = 0 : i64, scratch_operands = 0 : i64, tpu.core_type = #tpu.core_type<tc>, window_params = [{transform_indices = @transform_0, window_bounds = array<i64: 400, 144>}, {transform_indices = @transform_1, window_bounds = array<i64: 400, 144>}, {pipeline_mode = #tpu.pipeline_mode<synchronous>, transform_indices = @transform_2, window_bounds = array<i64: 136, 8>}, {pipeline_mode = #tpu.pipeline_mode<synchronous>, transform_indices = @transform_3, window_bounds = array<i64: 128, 128>}, {pipeline_mode = #tpu.pipeline_mode<synchronous>, transform_indices = @transform_4, window_bounds = array<i64: 1, 128>}, {pipeline_mode = #tpu.pipeline_mode<synchronous>, transform_indices = @transform_5, window_bounds = array<i64: 128, 128>}, {pipeline_mode = #tpu.pipeline_mode<synchronous>, transform_indices = @transform_6, window_bounds = array<i64: 1, 128>}, {transform_indices = @transform_7, window_bounds = array<i64: 400, 129>}]} {
    %get3A = arith.constant 0 : index
    %get3A_0 = arith.constant 0 : index
    %get3A_1 = vector.load %arg1[%get3A, %get3A_0] : memref<400x144xf32, #tpu.memory_space<vmem>>, vector<400x144xf32>
    %get3A_2 = arith.constant 0 : index
    %get3A_3 = arith.constant 0 : index
    %get3A_4 = vector.load %arg2[%get3A_2, %get3A_3] : memref<400x144xf32, #tpu.memory_space<vmem>>, vector<400x144xf32>
    %add3A = arith.addf %get3A_1, %get3A_4 : vector<400x144xf32>
    %slice3A = vector.extract_strided_slice %add3A {offsets = [0, 0], sizes = [400, 8], strides = [1, 1]} : vector<400x144xf32> to vector<400x8xf32>
    %slice3A_5 = vector.extract_strided_slice %add3A {offsets = [0, 8], sizes = [400, 136], strides = [1, 1]} : vector<400x144xf32> to vector<400x136xf32>
    %add3A_6 = arith.constant 1.000000e-16 : f32
    %add3A_7 = vector.broadcast %add3A_6 : f32 to vector<400x8xf32>
    %add3A_8 = arith.addf %slice3A, %add3A_7 : vector<400x8xf32>
    %div3A = arith.constant 1.000000e+00 : f32
    %div3A_9 = vector.broadcast %div3A : f32 to vector<400x8xf32>
    %div3A_10 = arith.divf %div3A_9, %add3A_8 : vector<400x8xf32>
    %concatenate3A = tpu.concatenate %div3A_10, %div3A_10, %div3A_10, %div3A_10, %div3A_10, %div3A_10, %div3A_10, %div3A_10, %div3A_10, %div3A_10, %div3A_10, %div3A_10, %div3A_10, %div3A_10, %div3A_10, %div3A_10, %div3A_10 in 1 : vector<400x8xf32>, vector<400x8xf32>, vector<400x8xf32>, vector<400x8xf32>, vector<400x8xf32>, vector<400x8xf32>, vector<400x8xf32>, vector<400x8xf32>, vector<400x8xf32>, vector<400x8xf32>, vector<400x8xf32>, vector<400x8xf32>, vector<400x8xf32>, vector<400x8xf32>, vector<400x8xf32>, vector<400x8xf32>, vector<400x8xf32> -> vector<400x136xf32>
    %mul3A = arith.mulf %slice3A_5, %concatenate3A : vector<400x136xf32>
    %mul3A_11 = arith.mulf %mul3A, %mul3A : vector<400x136xf32>
    %get3A_12 = arith.constant 0 : index
    %get3A_13 = arith.constant 0 : index
    %get3A_14 = vector.load %arg3[%get3A_12, %get3A_13] : memref<136x8xf32, #tpu.memory_space<vmem>>, vector<136x8xf32>
    %dot_general3A = arith.constant dense<0.000000e+00> : vector<400x8xf32>
    %dot_general3A_15 = tpu.matmul %mul3A_11, %get3A_14, %dot_general3A {dimension_numbers = #tpu.dot_dimension_numbers<[1], [0], [0], [1], [0, 0, 1, 1], [], []>, transpose_lhs_hint = false} : vector<400x136xf32>, vector<136x8xf32>, vector<400x8xf32> -> vector<400x8xf32>
    %abs3A = math.absf %dot_general3A_15 : vector<400x8xf32>
    %jit3A = arith.constant 9.99999993E-9 : f32
    %max3A = vector.broadcast %jit3A : f32 to vector<400x8xf32>
    %max3A_16 = arith.maximumf %max3A, %abs3A : vector<400x8xf32>
    %sqrt3A = math.sqrt %max3A_16 : vector<400x8xf32>
    %div3A_17 = arith.constant 1.000000e+00 : f32
    %div3A_18 = vector.broadcast %div3A_17 : f32 to vector<400x8xf32>
    %div3A_19 = arith.divf %div3A_18, %sqrt3A : vector<400x8xf32>
    %slice3A_20 = vector.extract_strided_slice %mul3A {offsets = [0, 8], sizes = [400, 128], strides = [1, 1]} : vector<400x136xf32> to vector<400x128xf32>
    %concatenate3A_21 = tpu.concatenate %div3A_19, %div3A_19, %div3A_19, %div3A_19, %div3A_19, %div3A_19, %div3A_19, %div3A_19, %div3A_19, %div3A_19, %div3A_19, %div3A_19, %div3A_19, %div3A_19, %div3A_19, %div3A_19 in 1 : vector<400x8xf32>, vector<400x8xf32>, vector<400x8xf32>, vector<400x8xf32>, vector<400x8xf32>, vector<400x8xf32>, vector<400x8xf32>, vector<400x8xf32>, vector<400x8xf32>, vector<400x8xf32>, vector<400x8xf32>, vector<400x8xf32>, vector<400x8xf32>, vector<400x8xf32>, vector<400x8xf32>, vector<400x8xf32> -> vector<400x128xf32>
    %mul3A_22 = arith.mulf %slice3A_20, %concatenate3A_21 : vector<400x128xf32>
    %get3A_23 = arith.constant 0 : index
    %get3A_24 = arith.constant 0 : index
    %get3A_25 = vector.load %arg4[%get3A_23, %get3A_24] : memref<128x128xf32, #tpu.memory_space<vmem>>, vector<128x128xf32>
    %dot_general3A_26 = arith.constant dense<0.000000e+00> : vector<400x128xf32>
    %dot_general3A_27 = tpu.matmul %mul3A_22, %get3A_25, %dot_general3A_26 {dimension_numbers = #tpu.dot_dimension_numbers<[1], [0], [0], [1], [0, 0, 1, 1], [], []>, transpose_lhs_hint = false} : vector<400x128xf32>, vector<128x128xf32>, vector<400x128xf32> -> vector<400x128xf32>
    %mul3A_28 = arith.mulf %dot_general3A_27, %dot_general3A_27 : vector<400x128xf32>
    %reduce_sum3A = arith.constant dense<0.000000e+00> : vector<400xf32>
    %reduce_sum3A_29 = vector.multi_reduction <add>, %mul3A_28, %reduce_sum3A [1] : vector<400x128xf32> to vector<400xf32>
    %broadcast_in_dim3A = vector.shape_cast %reduce_sum3A_29 : vector<400xf32> to vector<400x1xf32>
    %add3A_30 = arith.constant 1.000000e+00 : f32
    %add3A_31 = vector.broadcast %add3A_30 : f32 to vector<400x1xf32>
    %add3A_32 = arith.addf %broadcast_in_dim3A, %add3A_31 : vector<400x1xf32>
    %sqrt3A_33 = math.sqrt %add3A_32 : vector<400x1xf32>
    %get3A_34 = arith.constant 0 : index
    %get3A_35 = arith.constant 0 : index
    %get3A_36 = vector.load %arg6[%get3A_34, %get3A_35] : memref<128x128xf32, #tpu.memory_space<vmem>>, vector<128x128xf32>
    %dot_general3A_37 = arith.constant dense<0.000000e+00> : vector<400x128xf32>
    %dot_general3A_38 = tpu.matmul %dot_general3A_27, %get3A_36, %dot_general3A_37 {dimension_numbers = #tpu.dot_dimension_numbers<[1], [0], [0], [1], [0, 0, 1, 1], [], []>, transpose_lhs_hint = false} : vector<400x128xf32>, vector<128x128xf32>, vector<400x128xf32> -> vector<400x128xf32>
    %get3A_39 = arith.constant 0 : index
    %get3A_40 = arith.constant 0 : index
    %get3A_41 = vector.load %arg5[%get3A_39, %get3A_40] : memref<1x128xf32, #tpu.memory_space<vmem>>, vector<1x128xf32>
    %mul3A_42 = vector.broadcast %sqrt3A_33 : vector<400x1xf32> to vector<400x128xf32>
    %mul3A_43 = vector.broadcast %get3A_41 : vector<1x128xf32> to vector<400x128xf32>
    %mul3A_44 = arith.mulf %mul3A_42, %mul3A_43 : vector<400x128xf32>
    %add3A_45 = arith.addf %dot_general3A_38, %mul3A_44 : vector<400x128xf32>
    %get3A_46 = arith.constant 0 : index
    %get3A_47 = arith.constant 0 : index
    %get3A_48 = vector.load %arg7[%get3A_46, %get3A_47] : memref<1x128xf32, #tpu.memory_space<vmem>>, vector<1x128xf32>
    %add3A_49 = vector.broadcast %get3A_48 : vector<1x128xf32> to vector<400x128xf32>
    %add3A_50 = arith.addf %add3A_45, %add3A_49 : vector<400x128xf32>
    %mul3A_51 = arith.mulf %add3A_50, %add3A_50 : vector<400x128xf32>
    %reduce_sum3A_52 = arith.constant dense<0.000000e+00> : vector<400xf32>
    %reduce_sum3A_53 = vector.multi_reduction <add>, %mul3A_51, %reduce_sum3A_52 [1] : vector<400x128xf32> to vector<400xf32>
    %broadcast_in_dim3A_54 = vector.shape_cast %reduce_sum3A_53 : vector<400xf32> to vector<400x1xf32>
    %add3A_55 = arith.constant 1.000000e+00 : f32
    %add3A_56 = vector.broadcast %add3A_55 : f32 to vector<400x1xf32>
    %add3A_57 = arith.addf %broadcast_in_dim3A_54, %add3A_56 : vector<400x1xf32>
    %sqrt3A_58 = math.sqrt %add3A_57 : vector<400x1xf32>
    %concatenate3A_59 = tpu.concatenate %sqrt3A_58, %add3A_50 in 1 : vector<400x1xf32>, vector<400x128xf32> -> vector<400x129xf32>
    %swap3A = arith.constant 0 : index
    %swap3A_60 = arith.constant 0 : index
    %swap3A_61 = vector.load %arg8[%swap3A, %swap3A_60] : memref<400x129xf32, #tpu.memory_space<vmem>>, vector<400x129xf32>
    tpu.vector_store %arg8[%swap3A, %swap3A_60], %concatenate3A_59 {strides = array<i32>} : memref<400x129xf32, #tpu.memory_space<vmem>>, vector<400x129xf32>,
    return
  }
  func.func @transform_0(%arg0: i32) -> (i32, i32) {
    %c0_i32 = arith.constant 0 : i32
    %c0_i32_0 = arith.constant 0 : i32
    return %arg0, %c0_i32 : i32, i32
  }
  func.func @transform_1(%arg0: i32) -> (i32, i32) {
    %c0_i32 = arith.constant 0 : i32
    %c0_i32_0 = arith.constant 0 : i32
    return %arg0, %c0_i32 : i32, i32
  }
  func.func @transform_2(%arg0: i32) -> (i32, i32) {
    %c0_i32 = arith.constant 0 : i32
    %c0_i32_0 = arith.constant 0 : i32
    %c0_i32_1 = arith.constant 0 : i32
    return %c0_i32, %c0_i32_0 : i32, i32
  }
  func.func @transform_3(%arg0: i32) -> (i32, i32) {
    %c0_i32 = arith.constant 0 : i32
    %c0_i32_0 = arith.constant 0 : i32
    %c0_i32_1 = arith.constant 0 : i32
    return %c0_i32, %c0_i32_0 : i32, i32
  }
  func.func @transform_4(%arg0: i32) -> (i32, i32) {
    %c0_i32 = arith.constant 0 : i32
    %c0_i32_0 = arith.constant 0 : i32
    %c0_i32_1 = arith.constant 0 : i32
    return %c0_i32, %c0_i32_0 : i32, i32
  }
  func.func @transform_5(%arg0: i32) -> (i32, i32) {
    %c0_i32 = arith.constant 0 : i32
    %c0_i32_0 = arith.constant 0 : i32
    %c0_i32_1 = arith.constant 0 : i32
    return %c0_i32, %c0_i32_0 : i32, i32
  }
  func.func @transform_6(%arg0: i32) -> (i32, i32) {
    %c0_i32 = arith.constant 0 : i32
    %c0_i32_0 = arith.constant 0 : i32
    %c0_i32_1 = arith.constant 0 : i32
    return %c0_i32, %c0_i32_0 : i32, i32
  }
  func.func @transform_7(%arg0: i32) -> (i32, i32) {
    %c0_i32 = arith.constant 0 : i32
    %c0_i32_0 = arith.constant 0 : i32
    return %arg0, %c0_i32 : i32, i32
  }
}

</mosaic_0001>

<sc_bundles>
// kernel: kernel.6.cloned.1.call-start
scs
__scs_entry_jumppad:
0x0: {  	(pc) =	sbr.rel $0x88, $3  }
0x1: {  	(tag) =	ssettag $0x0;
	lr =	simm.s32 $0x1  }
0x2: {  	[smem:$0x3F95] =	sst lr;
	_ =	strace $0xD0000000  }
0x3: {  	_ = 	snop  }
0x4: {  	_ = 	snop  }
0x5: {  	_ = 	snop  }
0x6: {  	_ = 	snop  }
0x7: {  	_ = 	snop  }
__scs_overlays_trampoline_lowered:
0x8: {  	[smem:$0x3FA4] =	sst s0  }
0x9: {  	[smem:$0x3FA5] =	sst s1  }
0xa: {  	[smem:$0x3FA6] =	sst s2  }
0xb: {  	[smem:$0x3FA7] =	sst s3  }
0xc: {  	[smem:$0x3FA8] =	sst s4  }
0xd: {  	[smem:$0x3FA9] =	sst s5  }
0xe: {  	[smem:$0x3FAA] =	sst s6  }
0xf: {  	[smem:$0x3FAB] =	sst s7  }
0x10: {  	[smem:$0x3FAC] =	sst s8  }
0x11: {  	[smem:$0x3FAD] =	sst s9;
	s0 =	simm.s32 @!p0 $0x0  }
0x12: {  	s1 =	sld [smem:$0x3F93];
	s0 =	simm.s32 @p0 $0x1  }
0x13: {  	[smem:$0x3FAE] =	sst s0;
	s0 =	simm.s32 @!p1 $0x0  }
0x14: {  	s2 =	sld [smem:$0x3F92];
	s0 =	simm.s32 @p1 $0x1  }
0x15: {  	[smem:$0x3FAF] =	sst s0;
	s0 =	simm.s32 @!p2 $0x0  }
0x16: {  	s3 =	sld [smem:$0x3FDB];
	s0 =	simm.s32 @p2 $0x1  }
0x17: {  	s4 =	simm.s32 $0x1BF5;
	[smem:$0x3FB1] =	sst s0  }
0x18: {  	s0 =	sld [smem:$0x3F94];
	_ =	swait.ge [sflag:s4], $0x0  }
0x19: {  	s7 =	sld [smem:$0x3F95]  }
0x1a: {  	s8 =	sadd.s32 $0xFFFFE003, lr  }
0x1b: {  	s9 =	sadd.s32 $0xFFFFFEF7, lr;
	s5 =	simm.s32 $0xFFFFFFFF;
	p2 =	slt.u32 s8, $0xFFFFF086  }
0x1c: {  	p1 =	slt.u32 s9, $0xF7A;
	s5 =	simm.s32 @!p2 $0x0  }
0x1d: {  	s5 =	simm.s32 @p1 $0x1;
	p0 =	seq.s32 s7, s2  }
0x1e: {  	s7 =	smul.u32 @!p0 $0xF7A, s2;
	p2 =	seq.s32 @!p0 s5, $0x0  }
0x1f: {  	s9 =	smul.u32 $0xF7A, s1;
	s8 =	simm.s32 @!p0 $0x1BF5;
	p2 =	por !p2, p0  }
0x20: {  	[sflag:s8] =	ssyncset.s32 @!p0 $0xFFFFF086;
	s6 =	sadd.s32 @!p0 s3, s7;
	s7 =	simm.s32 @!p0 $0x108  }
0x21: {  	s3 =	sadd.s32 s3, s9;
	s6 =	sadd.s32 @!p0 $0x88, s6;
	s7 =	simm.s32 @p2 $0x1082  }
0x22: {  	[simem:s7], [sflag:s8] =	dma.local @!p0 [hbm:s6], $0xF7A  }
0x23: {  	s9 =	sor.u32 $0xD0000000, s2;
	s6 =	simm.s32 $0x108;
	_ =	swait.ge @!p0 [sflag:s8], $0x0  }
0x24: {  	s3 =	sadd.s32 $0x88, s3;
	s6 =	simm.s32 @!p1 $0x1082;
	[sflag:s4] =	ssyncset.s32 $0xFFFFF086  }
0x25: {  	[simem:s6], [sflag:s4] =	dma.local [hbm:s3], $0xF7A  }
0x26: {  	[smem:$0x3F95] =	sst s1;
	(tag) =	ssettag s2;
	_ =	strace s9  }
0x27: {  	s1 =	sld [smem:$0x3FA5]  }
0x28: {  	s2 =	sld [smem:$0x3FA6]  }
0x29: {  	s4 =	sld [smem:$0x3FA8]  }
0x2a: {  	p0 =	seq.s32 s5, $0x0;
	s5 =	sld [smem:$0x3FA9]  }
0x2b: {  	s6 =	sld [smem:$0x3FAA]  }
0x2c: {  	s7 =	sld [smem:$0x3FAB]  }
0x2d: {  	s3 =	simm.s32 $0x108;
	s8 =	sld [smem:$0x3FAC]  }
0x2e: {  	s3 =	simm.s32 @!p0 $0x1082;
	s9 =	sld [smem:$0x3FAD]  }
0x2f: {  	lr =	sadd.s32 s0, s3;
	s0 =	sld [smem:$0x3FA4]  }
0x30: {  	s3 =	sld [smem:$0x3FA7]  }
0x31: {  	[smem:$0x3FB0] =	sst s10  }
0x32: {  	s10 =	sld [smem:$0x3FAE];
	_ =	sdelay $0x3  }
0x33: {  	p0 =	seq.s32 s10, $0x1;
	s10 =	sld [smem:$0x3FB0];
	_ =	sdelay $0x3  }
0x34: {  	[smem:$0x3FB0] =	sst s10  }
0x35: {  	s10 =	sld [smem:$0x3FAF];
	_ =	sdelay $0x3  }
0x36: {  	p1 =	seq.s32 s10, $0x1;
	s10 =	sld [smem:$0x3FB0];
	_ =	sdelay $0x3  }
0x37: {  	[smem:$0x3FB0] =	sst s10  }
0x38: {  	s10 =	sld [smem:$0x3FB1]  }
0x39: {  	_ = 	snop;
	(pc) =	sbr.ind lr, $3  }
0x3a: {  	_ = 	snop  }
0x3b: {  	_ = 	snop  }
0x3c: {  	p2 =	seq.s32 s10, $0x1;
	s10 =	sld [smem:$0x3FB0]  }
0x3d: {  	_ =	shalt  }
0x3e: {  	_ =	shalt  }
0x3f: {  	_ =	shalt  }
0x40: {  	_ =	shalt  }
0x41: {  	_ =	shalt  }
0x42: {  	_ =	shalt  }
0x43: {  	_ =	shalt  }
0x44: {  	_ =	shalt  }
0x45: {  	_ =	shalt  }
0x46: {  	_ =	shalt  }
0x47: {  	_ =	shalt  }
0x48: {  	_ =	shalt  }
0x49: {  	_ =	shalt  }
0x4a: {  	_ =	shalt  }
0x4b: {  	_ =	shalt  }
0x4c: {  	_ =	shalt  }
0x4d: {  	_ =	shalt  }
0x4e: {  	_ =	shalt  }
0x4f: {  	_ =	shalt  }
0x50: {  	_ =	shalt  }
0x51: {  	_ =	shalt  }
0x52: {  	_ =	shalt  }
0x53: {  	_ =	shalt  }
0x54: {  	_ =	shalt  }
0x55: {  	_ =	shalt  }
0x56: {  	_ =	shalt  }
0x57: {  	_ =	shalt  }
0x58: {  	_ =	shalt  }
0x59: {  	_ =	shalt  }
0x5a: {  	_ =	shalt  }
0x5b: {  	_ =	shalt  }
0x5c: {  	_ =	shalt  }
0x5d: {  	_ =	shalt  }
0x5e: {  	_ =	shalt  }
0x5f: {  	_ =	shalt  }
0x60: {  	_ =	shalt  }
0x61: {  	_ =	shalt  }
0x62: {  	_ =	shalt  }
0x63: {  	_ =	shalt  }
0x64: {  	_ =	shalt  }
0x65: {  	_ =	shalt  }
0x66: {  	_ =	shalt  }
0x67: {  	_ =	shalt  }
0x68: {  	_ =	shalt  }
0x69: {  	_ =	shalt  }
0x6a: {  	_ =	shalt  }
0x6b: {  	_ =	shalt  }
0x6c: {  	_ =	shalt  }
0x6d: {  	_ =	shalt  }
0x6e: {  	_ =	shalt  }
0x6f: {  	_ =	shalt  }
0x70: {  	_ =	shalt  }
0x71: {  	_ =	shalt  }
0x72: {  	_ =	shalt  }
0x73: {  	_ =	shalt  }
0x74: {  	_ =	shalt  }
0x75: {  	_ =	shalt  }
0x76: {  	_ =	shalt  }
0x77: {  	_ =	shalt  }
0x78: {  	_ =	shalt  }
0x79: {  	_ =	shalt  }
0x7a: {  	_ =	shalt  }
0x7b: {  	_ =	shalt  }
0x7c: {  	_ =	shalt  }
0x7d: {  	_ =	shalt  }
0x7e: {  	_ =	shalt  }
0x7f: {  	_ =	shalt  }
0x80: {  	_ =	shalt  }
0x81: {  	_ =	shalt  }
0x82: {  	_ =	shalt  }
0x83: {  	_ =	shalt  }
0x84: {  	_ =	shalt  }
0x85: {  	_ =	shalt  }
0x86: {  	_ =	shalt  }
0x87: {  	_ =	shalt  }
.Lfunc_end0:
.L_simem_size_0:
called_computation_lowered:
.L_overlay_start_0:
0x88: {  	s2 =	sld [smem:$0x3FD9]  }
0x89: {  	s3 =	sld [smem:$0x3FFE];
	_ =	sdelay $0x1  }
0x8a: {  	s1 =	srdreg.scid  }
0x8b: {  	s0 =	sand.u32 $0x1, s1  }
0x8c: {  	s17 =	sshll.u32 s0, $0xA;
	s2 =	sadd.s32 s3, s2  }
0x8d: {  	s2 =	sadd.s32 s2, s17  }
0x8e: {  	[smem:$0x3FBC] =	sst s2  }
0x8f: {  	_ = 	snop  }
0x90: {  	s2 =	sld [smem:$0x3FD0];
	(tm) =	ssettm $0x1  }
0x91: {  	s18 =	sld [smem:$0x3FFB];
	_ =	sdelay $0x3  }
0x92: {  	_ =	strace s18  }
0x93: {  	s3 =	sld [smem:$0x3FFC];
	_ =	sdelay $0x3  }
0x94: {  	_ =	strace s3  }
0x95: {  	s3 =	sld [smem:$0x3FFD];
	_ =	sdelay $0x3  }
0x96: {  	_ =	strace s3  }
0x97: {  	_ =	strace $0x8FFFFFFF  }
0x98: {  	s19 =	sld [smem:$0x3FDB];
	_ =	sdelay $0x1  }
0x99: {  	s4 =	simm.s32 $_scs_section_size  }
0x9a: {  	s5 =	simm.s32 $_size__tile_overlayer_lowered;
	s6 =	simm.s32 $_tile_overlayer_lowered  }
0x9b: {  	s22 =	simm.s32 $0x1BFF;
	s21 =	sshll.u32 s6, $0x1;
	s3 =	sadd.s32 s4, s19  }
0x9c: {  	s7 =	simm.s32 $0x0;
	s20 =	sshll.u32 s5, $0x1;
	s5 =	sadd.s32 s21, s3  }
0x9d: {  	[timem:s7], [sflag:s22] =	dma.local [hbm:s5], s20  }
0x9e: {  	_ =	swait.ge [sflag:s22], s20  }
0x9f: {  	s4 =	ssub.s32 $0x0, s20;
	[sflag:s22] =	ssyncset.done $0x0  }
0xa0: {  	[sflag:s22] =	ssyncadd.s32 s4;
	_ =	sdelay $0x1  }
0xa1: {  	s23 =	simm.s32 $0x1B8B  }
0xa2: {  	_ =	swait.ge [sflag:s23], $0x1  }
0xa3: {  	[sflag:s23] =	ssyncset.done $0x0  }
0xa4: {  	s25 =	simm.s32 $0x1B8E;
	s24 =	sld [smem:$0x3FFE];
	[sflag:s23] =	ssyncadd.s32 $0xFFFFFFFF  }
0xa5: {  	s26 =	simm.s32 $execute0_lowered;
	[smem:$0x3FD2] =	sst s25  }
0xa6: {  	s5 =	sshll.u32 s26, $0x1;
	_ =	strace $0x80000046;
	[dreg:$0x1] =	wrdreg $0xFFFFFFFF  }
0xa7: {  	s28 =	simm.s32 $_size_execute0_lowered;
	s3 =	sadd.s32 s3, s5;
	[dreg:$0x0] =	wrdreg $0x0  }
0xa8: {  	s5 =	sshll.u32 s28, $0x1;
	[dreg:$0x2] =	wrdreg s3  }
0xa9: {  	[dreg:$0x3] =	wrdreg s5  }
0xaa: {  	[dreg:$0x4] =	wrdreg $0xC0  }
0xab: {  	_ =	task [dreg:s7], $0x5FFFF  }
0xac: {  	[dreg:$0x1] =	wrdreg $0xFFFFFFFF  }
0xad: {  	[dreg:$0x0] =	wrdreg $0x60  }
0xae: {  	[dreg:$0x2] =	wrdreg s24  }
0xaf: {  	[dreg:$0x3] =	wrdreg s2  }
0xb0: {  	[dreg:$0x4] =	wrdreg $0xA0000  }
0xb1: {  	[dreg:$0x5] =	wrdreg $0x9  }
0xb2: {  	_ =	task.clear_ibuf [dreg:s7], $0x6FFFF;
	_ =	strace $0x90000046  }
0xb3: {  	s29 =	simm.s32 $0x9;
	_ =	strace $0x80000048  }
0xb4: {  	_ =	swait.ge [sflag:s29], $0x1  }
0xb5: {  	[sflag:s29] =	ssyncadd.s32 $0xFFFFFFFF  }
0xb6: {  	_ =	strace $0x90000048  }
0xb7: {  	_ =	sfence  }
0xb8: {  	s30 =	sld [smem:$0x0];
	_ =	sdelay $0x2  }
0xb9: {  	s31 =	sshll.u32 s1, $0xD;
	s1 =	sshrl.u32 s1, $0x2  }
0xba: {  	s3 =	sand.u32 $0x4000, s31;
	s1 =	sadd.s32 s1, s30  }
0xbb: {  	s0 =	sor.u32 s3, s0;
	s1 =	sshll.u32 s1, $0x11  }
0xbc: {  	s0 =	sor.u32 s1, s0  }
0xbd: {  	s0 =	sadd.s32 $0x8F2B, s0  }
0xbe: {  	[sflag:s0] =	ssyncadd.remote.s32 $0x1  }
0xbf: {  	_ =	sfence.sel $0xFFFF  }
0xc0: {  	[dreg:$0x0] =	wrdreg $0xFFFFFFFF;
	(pc) =	sbr.abs _section_cstart, $3  }
0xc1: {  	[dreg:$0x1] =	wrdreg $0xFFFFFFFF  }
0xc2: {  	_ =	task.clear_ibuf [dreg:s7], $0x2FFFF;
	_ =	strace $0x9FFFFFFF  }
0xc3: {  	(tm) =	ssettm $0x7FFFFFFF  }
tec
execute0_lowered:
.L_overlay_start_1:
0x0: {  	(tag) =	ssettag $0x1  }
0x1: {  	s0 =	rddreg [dreg:$0x0]  }
0x2: {  	s1 =	rddreg [dreg:$0x1]  }
0x3: {  	s2 =	rddreg [dreg:$0x2];
	s3 =	srdreg.scid  }
0x4: {  	s4 =	simm.s32 $0x0;
	s19 =	stileid.u32;
	s20 =	simm.s32 $0x4  }
0x5: {  	s21 =	simm.s32 $0x9D80;
	s22 =	simm.s32 $0x28;
	s25 =	simm.s32 $0x1  }
0x6: {  	s28 =	simm.s32 $0x3;
	s29 =	simm.s32 $0x0;
	s3 =	sand.u32 $0x1, s3  }
0x7: {  	[smem:$0x7FF] =	sst s4;
	s6 =	sadd.s32 $0x78200, s0;
	s12 =	smul.u32 $0x57C00, s19  }
0x8: {  	v34 =	vlaneseq.u32;
	s7 =	sadd.s32 $0x2EE00, s0;
	s17 =	sadd.s32 $0x149100, s2;
	s30 =	smul.u32 $0x2BE0, s19  }
0x9: {  	v19 =	vshrl.u32 v34, $0x3;
	v1 =	vand.u32 $0x7, v34;
	v61 =	vor.u32 $0x108, v34;
	s5 =	sshll.u32 s3, $0x4;
	_ =	strace $0x80000047;
	s15 =	smul.u32 $0x2BF20, s3  }
0xa: {  	s13 =	ssub.s32 $0x2, s3;
	v3 =	vor.u32 $0x10, v1;
	v4 =	vor.u32 $0x18, v1;
	s3 =	smul.u32 $0x15F900, s3;
	v5 =	vor.u32 $0x20, v1;
	s9 =	sor.u32 s19, s5  }
0xb: {  	p0 =	seq.s32 s19, $0xF;
	v6 =	vor.u32 $0x28, v1;
	v7 =	vor.u32 $0x30, v1;
	v8 =	vor.u32 $0x38, v1;
	s5 =	sadd.s32 $0x2E00, s0;
	s8 =	smul.u32 $0x2710, s9  }
0xc: {  	v9 =	vor.u32 $0x40, v1;
	v10 =	vor.u32 $0x48, v1;
	v11 =	vor.u32 $0x50, v1;
	s14 =	sshrl.u32 s13, $0x1;
	s12 =	sshrl.u32 s12, $0x2;
	s10 =	smul.u32 $0xFA, s9  }
0xd: {  	v12 =	vor.u32 $0x58, v1;
	v13 =	vor.u32 $0x60, v1;
	v14 =	vor.u32 $0x68, v1;
	s9 =	smul.u32 $0x4E2, s9;
	s16 =	ssub.s32 s13, s14;
	s18 =	sadd.s32 s12, s2  }
0xe: {  	v15 =	vor.u32 $0x70, v1;
	v16 =	vor.u32 $0x78, v1;
	v17 =	vor.u32 $0x80, v1;
	s3 =	sshrl.u32 s3, $0x3;
	s31 =	sadd.s32 s30, s15;
	s15 =	smax.u32 s16, $0x1  }
0xf: {  	v18 =	vor.u32 $0x88, v1;
	v24 =	vor.u32 $0x90, v1;
	v0 =	vor.u32 $0xE8, v1;
	[tilespmem:$0x1FFA0] =	vst v19;
	s16 =	sshrl.u32 @p0 s17, $0x3;
	s18 =	sshrl.u32 @!p0 s18, $0x3;
	s11 =	sadd.s32 s8, s0  }
0x10: {  	v25 =	vor.u32 $0x98, v1;
	v20 =	vor.u32 $0xF0, v1;
	[tilespmem:$0x1FFB0] =	vst v0;
	s8 =	sadd.s32 $0x38C00, s0;
	s0 =	sadd.s32 $0x119600, s0;
	s26 =	sadd.s32 s1, s9  }
0x11: {  	v26 =	vor.u32 $0xA0, v1;
	v27 =	vor.u32 $0xA8, v1;
	v21 =	vor.u32 $0xF8, v1;
	[tilespmem:$0x1FFC0] =	vst v20;
	s9 =	sadd.s32 s7, s9;
	s12 =	sadd.s32 $0x8, s10;
	[dreg:$0x4] =	wrdreg s26  }
0x12: {  	v28 =	vor.u32 $0xB0, v1;
	v29 =	vor.u32 $0xB8, v1;
	v22 =	vor.u32 $0x100, v1;
	[tilespmem:$0x1FFD0] =	vst v21;
	[dreg:$0x5] =	wrdreg s9;
	s3 =	sadd.s32 s0, s3;
	s0 =	sadd.s32 s0, s31  }
0x13: {  	v30 =	vor.u32 $0xC0, v1;
	v31 =	vor.u32 $0xC8, v1;
	v32 =	vor.u32 $0xD0, v1;
	[tilespmem:$0x1FFE0] =	vst v22;
	s11 =	sadd.s32 $0xCB400, s11;
	[dreg:$0x6] =	wrdreg s0;
	s0 =	sshll.u32 @!p0 s19, $0x6  }
0x14: {  	v2 =	vor.u32 $0x8, v1;
	v33 =	vor.u32 $0xD8, v1;
	v23 =	vor.u32 $0xE0, v1;
	[tilespmem:$0x1FFF0] =	vst v32;
	s26 =	simm.s32 $0x8480;
	s14 =	sadd.s32 $0x29220, s3;
	s17 =	sor.u32 @!p0 $0x1C04, s0  }
.LBB2_1:
0x15: {  	s0 =	simm.s32 @p0 $0x1FC4  }
0x16: {  	[spmem:s16], [sflag:s0] =	dma.local @p0 [hbm:s8], $0x2D00  }
0x17: {  	s0 =	simm.s32 @p0 $0x4  }
0x18: {  	_ =	swait.ge @p0 [sflag:s0], $0x2D00  }
0x19: {  	[sflag:s0] =	ssyncset.done @p0 $0x0  }
0x1a: {  	[sflag:s0] =	ssyncadd.s32 @p0 $0xFFFFD300;
	s0 =	simm.s32 @!p0 $0x4  }
0x1b: {  	[spmem:s18], [sflag:s17] =	dma.local @!p0 [hbm:s8], $0x2BE0  }
0x1c: {  	_ =	swait.ge @!p0 [sflag:s0], $0x2BE0  }
0x1d: {  	[sflag:s0] =	ssyncset.done @!p0 $0x0  }
0x1e: {  	[sflag:s0] =	ssyncadd.s32 @!p0 $0xFFFFD420  }
0x1f: {  	[bflag:$0x0] =	sbarrier.arrive $0xFFFF  }
0x20: {  	s3 =	simm.s32 $0x9B00;
	s19 =	rddreg [dreg:$0x4]  }
0x21: {  	[tilespmem:s3], [sflag:$0x4] =	stream.linear.gather [hbm4b:s19+s4], $0x140, $0x38;
	[tilespmem:$0x1FF90] =	vst v63  }
0x22: {  	_ =	swait.ge [sflag:s20], $0x140  }
0x23: {  	[sflag:s20] =	ssyncset.done $0x0  }
0x24: {  	s23 =	rddreg [dreg:$0x5];
	[sflag:s20] =	ssyncadd.s32 $0xFFFFFEC0  }
0x25: {  	[tilespmem:s21], [sflag:$0x4] =	stream.linear.gather [hbm4b:s23+s4], $0x140, $0x38;
	[tilespmem:$0x1FF90] =	vst v63  }
0x26: {  	_ =	swait.ge [sflag:s20], $0x140  }
0x27: {  	[sflag:s20] =	ssyncset.done $0x0  }
0x28: {  	[sflag:s20] =	ssyncadd.s32 $0xFFFFFEC0  }
0x29: {  	[tilespmem:s4], [sflag:$0x1] =	stream.indirect.gather [hbm4b:s5+s22], $0x90, s21, s22, $0xb8;
	[tilespmem:$0x1FF90] =	vst v63  }
0x2a: {  	s24 =	simm.s32 $0x2D00  }
0x2b: {  	[tilespmem:s24], [sflag:$0x1] =	stream.indirect.gather [hbm4b:s6+s22], $0x110, s3, s22, $0xb8;
	[tilespmem:$0x1FF90] =	vst v63  }
0x2c: {  	s31 =	simm.s32 $0x8200;
	s30 =	simm.s32 $0x0  }
0x2d: {  	[tilespmem:s31], [sflag:$0x1] =	stream.linear.gather [hbm4b:s11+s4], $0x140, $0x38;
	[tilespmem:$0x1FF90] =	vst v63  }
.LBB2_2:
0x2e: {  	s31 =	sand.u32 $0x7, s30;
	p1 =	sgt.u32 s30, $0xF7  }
0x2f: {  	s0 =	sshrl.u32 s30, $0x3;
	p2 =	sne.s32 @!p1 s31, $0x0  }
0x30: {  	s0 =	sand.u32 $0x1, s0;
	p1 =	por p2, p1  }
0x31: {  	p3 =	seq.s32 s30, $0x0;
	s9 =	sxor.u32 @!p1 $0x1, s0  }
0x32: {  	s3 =	simm.s32 @!p3 $0x3;
	s10 =	sadd.s32 @!p1 s30, s12;
	s9 =	smul.u32 @!p1 $0x140, s9  }
0x33: {  	_ =	swait.ge @!p3 [sflag:s3], $0x1680;
	s10 =	smul.u32 @!p1 $0x5, s10  }
0x34: {  	[sflag:s3] =	ssyncset.done @!p3 $0x0;
	s24 =	simm.s32 @!p1 $0x0  }
0x35: {  	[sflag:s3] =	ssyncadd.s32 @!p3 $0xFFFFE980;
	s3 =	sadd.s32 @!p1 $0x9B00, s9;
	s23 =	sadd.s32 @!p1 s1, s10  }
0x36: {  	[tilespmem:s3], [sflag:$0x2] =	stream.linear.gather @!p1 [hbm4b:s23+s24], $0x140, $0x38;
	[tilespmem:$0x1FF90] =	vst v63  }
0x37: {  	s3 =	sadd.s32 @!p1 $0x9D80, s9;
	s9 =	sadd.s32 @!p1 s7, s10  }
0x38: {  	[tilespmem:s3], [sflag:$0x2] =	stream.linear.gather @!p1 [hbm4b:s9+s24], $0x140, $0x38;
	[tilespmem:$0x1FF90] =	vst v63  }
0x39: {  	_ =	swait.ge [sflag:s25], $0x1680  }
0x3a: {  	[sflag:s25] =	ssyncset.done $0x0  }
0x3b: {  	p1 =	seq.s32 s30, $0xF9;
	[sflag:s25] =	ssyncadd.s32 $0xFFFFE980  }
0x3c: {  	p2 =	sgt.u32 @!p1 s30, $0xF7;
	_ =	swait.ge [sflag:s25], $0x2A80  }
0x3d: {  	p3 =	por p2, p1;
	[sflag:s25] =	ssyncset.done $0x0  }
0x3e: {  	p3 =	sne.s32 @!p3 s31, $0x7;
	[sflag:s25] =	ssyncadd.s32 $0xFFFFD580  }
0x3f: {  	p2 =	por @!p1 p3, p2;
	_ =	swait.ge [sflag:s25], $0x140  }
0x40: {  	p2 =	por p2, p1;
	[sflag:s25] =	ssyncset.done $0x0  }
0x41: {  	s3 =	simm.s32 @!p2 $0x2;
	[sflag:s25] =	ssyncadd.s32 $0xFFFFFEC0  }
0x42: {  	s9 =	sand.u32 $0x1, s30;
	_ =	swait.ge @!p2 [sflag:s3], $0x140  }
0x43: {  	s10 =	sadd.s32 @!p1 $0x1, s30;
	s19 =	sxor.u32 @!p1 $0x1, s9;
	[sflag:s3] =	ssyncset.done @!p2 $0x0  }
0x44: {  	s23 =	sand.u32 @!p1 $0x7, s10;
	s24 =	sshll.u32 @!p1 s10, $0x1C;
	[sflag:s3] =	ssyncadd.s32 @!p2 $0xFFFFFEC0  }
0x45: {  	s24 =	sshra.s32 @!p1 s24, $0x1F;
	s23 =	smul.u32 @!p1 $0x28, s23;
	_ =	swait.ge @!p2 [sflag:s3], $0x140  }
0x46: {  	s13 =	smul.u32 @!p1 $0x5A00, s19;
	s24 =	sand.u32 @!p1 $0x140, s24;
	[sflag:s3] =	ssyncset.done @!p2 $0x0  }
0x47: {  	[sflag:s3] =	ssyncadd.s32 @!p2 $0xFFFFFEC0;
	s3 =	sadd.s32 @!p1 s23, s24  }
0x48: {  	s13 =	sshrl.u32 @!p1 s13, $0x2;
	s24 =	simm.s32 @!p1 $0x28;
	s23 =	sadd.s32 @!p1 $0x9D80, s3  }
0x49: {  	[tilespmem:s13], [sflag:$0x1] =	stream.indirect.gather @!p1 [hbm4b:s5+s24], $0x90, s23, s24, $0xb8;
	[tilespmem:$0x1FF90] =	vst v63  }
0x4a: {  	s13 =	smul.u32 @!p1 $0xAA00, s19  }
0x4b: {  	s23 =	simm.s32 $0x0  }
0x4c: {  	s19 =	smul.u32 @!p1 $0x500, s19;
	v36 =	vor.u32 s23, v19;
	s13 =	sshrl.u32 @!p1 s13, $0x2  }
0x4d: {  	s3 =	sadd.s32 @!p1 $0x9B00, s3;
	s23 =	smul.u32 $0x5A00, s9;
	v38 =	vmul.u32 $0x90, v36;
	s13 =	sadd.s32 @!p1 $0x2D00, s13  }
0x4e: {  	v35 =	vmul.u32 $0x110, v36;
	[tilespmem:s13], [sflag:$0x1] =	stream.indirect.gather @!p1 [hbm4b:s6+s24], $0x110, s3, s24, $0xb8;
	[tilespmem:$0x1FF90] =	vst v63  }
0x4f: {  	s3 =	smul.u32 @!p1 $0x28, s10;
	v34 =	vor.u32 v1, v38  }
0x50: {  	v37 =	vor.u32 v1, v35;
	s24 =	smul.u32 $0xAA00, s9  }
0x51: {  	s23 =	sshrl.u32 s23, $0x2;
	s10 =	sshrl.u32 @!p1 s19, $0x2;
	s19 =	simm.s32 @!p1 $0x0;
	v40 =	vor.u32 v2, v38  }
0x52: {  	v41 =	vor.u32 v2, v35;
	s10 =	sor.u32 @!p1 $0x8200, s10;
	s3 =	sadd.s32 @!p1 s3, s11;
	s13 =	sshrl.u32 s24, $0x2  }
0x53: {  	v42 =	vadd.s32 v3, v35;
	[tilespmem:s10], [sflag:$0x1] =	stream.linear.gather @!p1 [hbm4b:s3+s19], $0x140, $0x38;
	[tilespmem:$0x1FF90] =	vst v63  }
0x54: {  	v43 =	vadd.s32 v3, v38;
	s3 =	sadd.s32 $0x2D00, s13;
	v44 =	vld.idx.msk [tilespmem:v34+s23+$0x0], $0xffff  }
0x55: {  	v45 =	vadd.s32 v4, v35;
	v37 =	vld.idx.msk [tilespmem:v37+s3+$0x0], $0xffff  }
0x56: {  	v47 =	vadd.s32 v4, v38;
	v46 =	vld.idx.msk [tilespmem:v40+s23+$0x0], $0xffff  }
0x57: {  	v48 =	vadd.s32 v5, v35;
	v41 =	vld.idx.msk [tilespmem:v41+s3+$0x0], $0xffff  }
0x58: {  	v49 =	vadd.s32 v5, v38;
	v42 =	vld.idx.msk [tilespmem:v42+s3+$0x0], $0xffff  }
0x59: {  	v50 =	vadd.s32 v6, v35;
	v51 =	vld.idx.msk [tilespmem:v43+s23+$0x0], $0xffff  }
0x5a: {  	v32 =	vmov v31;
	v31 =	vmov v30;
	v52 =	vadd.s32 v6, v38;
	v45 =	vld.idx.msk [tilespmem:v45+s3+$0x0], $0xffff  }
0x5b: {  	v30 =	vmovc v29;
	v29 =	vmov v28;
	v63 =	vadd.s32 v7, v35;
	v53 =	vld.idx.msk [tilespmem:v47+s23+$0x0], $0xffff;
	v37 =	vmul.f32 v37, v44  }
0x5c: {  	v28 =	vmovc v27;
	v27 =	vmovc v26;
	v26 =	vmov v25;
	v25 =	vmov v24;
	v54 =	vadd.s32 v7, v38;
	v48 =	vld.idx.msk [tilespmem:v48+s3+$0x0], $0xffff  }
0x5d: {  	v24 =	vmovc v34;
	v34 =	vadd.s32 v8, v35;
	v55 =	vld.idx.msk [tilespmem:v49+s23+$0x0], $0xffff;
	v41 =	vmul.f32 v41, v46;
	v37 =	vadd.f32 $0.0e+00, v37  }
0x5e: {  	v56 =	vadd.s32 v8, v38;
	v50 =	vld.idx.msk [tilespmem:v50+s3+$0x0], $0xffff  }
0x5f: {  	v57 =	vadd.s32 v9, v38;
	v62 =	vld.idx.msk [tilespmem:v52+s23+$0x0], $0xffff;
	v42 =	vmul.f32 v42, v51;
	v37 =	vadd.f32 v41, v37  }
0x60: {  	v60 =	vadd.s32 v9, v35;
	v44 =	vld.idx.msk [tilespmem:v63+s3+$0x0], $0xffff  }
0x61: {  	v58 =	vadd.s32 v10, v38;
	v45 =	vmul.f32 v45, v53;
	v53 =	vld.idx.msk [tilespmem:v54+s23+$0x0], $0xffff;
	v37 =	vadd.f32 v42, v37  }
0x62: {  	v63 =	vadd.s32 v10, v35;
	v46 =	vld.idx.msk [tilespmem:v34+s3+$0x0], $0xffff  }
0x63: {  	v48 =	vmul.f32 v48, v55;
	v34 =	vadd.s32 v11, v35;
	v55 =	vld.idx.msk [tilespmem:v56+s23+$0x0], $0xffff;
	v37 =	vadd.f32 v45, v37  }
0x64: {  	v51 =	vld.idx.msk [tilespmem:v57+s23+$0x0], $0xffff  }
0x65: {  	v59 =	vadd.s32 v11, v38;
	v50 =	vmul.f32 v50, v62;
	v41 =	vld.idx.msk [tilespmem:v60+s3+$0x0], $0xffff;
	v37 =	vadd.f32 v48, v37  }
0x66: {  	v60 =	vadd.s32 v12, v38;
	v44 =	vmul.f32 v44, v53;
	v53 =	vld.idx.msk [tilespmem:v58+s23+$0x0], $0xffff  }
0x67: {  	v42 =	vld.idx.msk [tilespmem:v63+s3+$0x0], $0xffff;
	v48 =	vadd.s32 v12, v35;
	v37 =	vadd.f32 v50, v37  }
0x68: {  	v45 =	vld.idx.msk [tilespmem:v34+s3+$0x0], $0xffff;
	v34 =	vmov v61;
	v61 =	vadd.s32 v13, v38  }
0x69: {  	v46 =	vmul.f32 v46, v55;
	v50 =	vadd.s32 v13, v35;
	v37 =	vadd.f32 v44, v37  }
0x6a: {  	v62 =	vadd.s32 v14, v38;
	v55 =	vld.idx.msk [tilespmem:v59+s23+$0x0], $0xffff  }
0x6b: {  	v41 =	vmul.f32 v41, v51;
	v51 =	vld.idx.msk [tilespmem:v60+s23+$0x0], $0xffff;
	v44 =	vadd.s32 v14, v35;
	v37 =	vadd.f32 v46, v37  }
0x6c: {  	v48 =	vld.idx.msk [tilespmem:v48+s3+$0x0], $0xffff;
	v46 =	vadd.s32 v15, v35  }
0x6d: {  	v63 =	vadd.s32 v15, v38;
	v42 =	vmul.f32 v42, v53;
	v53 =	vld.idx.msk [tilespmem:v61+s23+$0x0], $0xffff;
	v37 =	vadd.f32 v41, v37  }
0x6e: {  	v39 =	vadd.s32 v16, v38;
	v50 =	vld.idx.msk [tilespmem:v50+s3+$0x0], $0xffff  }
0x6f: {  	v45 =	vmul.f32 v45, v55;
	v55 =	vld.idx.msk [tilespmem:v62+s23+$0x0], $0xffff;
	v41 =	vadd.s32 v16, v35;
	v37 =	vadd.f32 v42, v37  }
0x70: {  	v44 =	vld.idx.msk [tilespmem:v44+s3+$0x0], $0xffff;
	v42 =	vadd.s32 v17, v35  }
0x71: {  	v48 =	vmul.f32 v48, v51;
	v51 =	vadd.s32 v17, v38;
	v46 =	vld.idx.msk [tilespmem:v46+s3+$0x0], $0xffff;
	v37 =	vadd.f32 v45, v37  }
0x72: {  	v45 =	vld.idx.msk [tilespmem:v63+s23+$0x0], $0xffff  }
0x73: {  	v50 =	vmul.f32 v50, v53;
	v53 =	vld.idx.msk [tilespmem:v39+s23+$0x0], $0xffff;
	v37 =	vadd.f32 v48, v37  }
0x74: {  	v36 =	vshll.u32 v36, $0x3;
	v41 =	vld.idx.msk [tilespmem:v41+s3+$0x0], $0xffff  }
0x75: {  	v36 =	vor.u32 v1, v36;
	v44 =	vmul.f32 v44, v55;
	v42 =	vld.idx.msk [tilespmem:v42+s3+$0x0], $0xffff;
	v37 =	vadd.f32 v50, v37  }
0x76: {  	s9 =	smul.u32 $0x500, s9;
	v55 =	vld.idx.msk [tilespmem:v51+s23+$0x0], $0xffff  }
0x77: {  	v45 =	vmul.f32 v46, v45;
	v37 =	vadd.f32 v44, v37  }
0x78: {  	s9 =	sshrl.u32 s9, $0x2  }
0x79: {  	s24 =	sor.u32 $0x8200, s9;
	v41 =	vmul.f32 v41, v53;
	v37 =	vadd.f32 v45, v37  }
0x7a: {  	v36 =	vld.idx.msk [tilespmem:v36+s24+$0x0], $0xffff  }
0x7b: {  	v42 =	vmul.f32 v42, v55;
	v37 =	vadd.f32 v41, v37;
	_ =	sdelay $0x1  }
0x7c: {  	v37 =	vadd.f32 v42, v37;
	_ =	sdelay $0x1  }
0x7d: {  	v36 =	vadd.f32 $5.000000000e-01, v36;
	v37 =	vmul.f32 $5.000000000e-01, v37;
	_ =	sdelay $0x1  }
0x7e: {  	v36 =	vadd.f32 v37, v36;
	_ =	sdelay $0x1  }
0x7f: {  	v36 =	vmul.f32 $1.442695020e+00, v36;
	_ =	sdelay $0x1  }
0x80: {  	(erf) = vpow2.f32 v36;
	_ =	sdelay $0x5  }
0x81: {  	v42 =	vadd.s32 v18, v35;
	_ =	sdelay $0x2  }
0x82: {  	v37 =	vpop (erf)  }
0x83: {  	[tilespmem:v24+s26+$0x0] =	vst.idx.msk $0xffff, v37  }
0x84: {  	v36 =	vld.idx.msk [tilespmem:v42+s3+$0x0], $0xffff;
	_ =	sdelay $0x2  }
0x85: {  	v44 =	vadd.s32 v25, v35;
	_ =	sdelay $0x1  }
0x86: {  	v36 =	vmul.f32 v37, v36;
	_ =	sdelay $0x1  }
0x87: {  	[tilespmem:v40+s26+$0x0] =	vst.idx.msk $0xffff, v36  }
0x88: {  	v36 =	vld.idx.msk [tilespmem:v44+s3+$0x0], $0xffff;
	_ =	sdelay $0x2  }
0x89: {  	v45 =	vadd.s32 v26, v35;
	_ =	sdelay $0x1  }
0x8a: {  	v36 =	vmul.f32 v37, v36;
	_ =	sdelay $0x1  }
0x8b: {  	[tilespmem:v43+s26+$0x0] =	vst.idx.msk $0xffff, v36  }
0x8c: {  	v36 =	vld.idx.msk [tilespmem:v45+s3+$0x0], $0xffff;
	_ =	sdelay $0x2  }
0x8d: {  	v46 =	vadd.s32 v27, v35;
	_ =	sdelay $0x1  }
0x8e: {  	v36 =	vmul.f32 v36, v37;
	_ =	sdelay $0x1  }
0x8f: {  	[tilespmem:v47+s26+$0x0] =	vst.idx.msk $0xffff, v36  }
0x90: {  	v36 =	vld.idx.msk [tilespmem:v46+s3+$0x0], $0xffff;
	_ =	sdelay $0x2  }
0x91: {  	v47 =	vadd.s32 v28, v35;
	_ =	sdelay $0x1  }
0x92: {  	v36 =	vmul.f32 v36, v37;
	_ =	sdelay $0x1  }
0x93: {  	[tilespmem:v49+s26+$0x0] =	vst.idx.msk $0xffff, v36  }
0x94: {  	v36 =	vld.idx.msk [tilespmem:v47+s3+$0x0], $0xffff;
	_ =	sdelay $0x2  }
0x95: {  	v48 =	vadd.s32 v29, v35;
	_ =	sdelay $0x1  }
0x96: {  	v36 =	vmul.f32 v36, v37;
	_ =	sdelay $0x1  }
0x97: {  	[tilespmem:v52+s26+$0x0] =	vst.idx.msk $0xffff, v36  }
0x98: {  	v36 =	vld.idx.msk [tilespmem:v48+s3+$0x0], $0xffff;
	_ =	sdelay $0x2  }
0x99: {  	v49 =	vadd.s32 v30, v35;
	_ =	sdelay $0x1  }
0x9a: {  	v36 =	vmul.f32 v36, v37;
	_ =	sdelay $0x1  }
0x9b: {  	[tilespmem:v54+s26+$0x0] =	vst.idx.msk $0xffff, v36  }
0x9c: {  	v36 =	vld.idx.msk [tilespmem:v49+s3+$0x0], $0xffff;
	_ =	sdelay $0x2  }
0x9d: {  	v50 =	vadd.s32 v31, v35;
	_ =	sdelay $0x1  }
0x9e: {  	v36 =	vmul.f32 v36, v37;
	_ =	sdelay $0x1  }
0x9f: {  	[tilespmem:v56+s26+$0x0] =	vst.idx.msk $0xffff, v36  }
0xa0: {  	v36 =	vld.idx.msk [tilespmem:v50+s3+$0x0], $0xffff;
	_ =	sdelay $0x2  }
0xa1: {  	v52 =	vadd.s32 v32, v35;
	_ =	sdelay $0x1  }
0xa2: {  	v36 =	vmul.f32 v36, v37  }
0xa3: {  	v53 =	vld [tilespmem:$0x1FFF0]  }
0xa4: {  	[tilespmem:v57+s26+$0x0] =	vst.idx.msk $0xffff, v36  }
0xa5: {  	v36 =	vld.idx.msk [tilespmem:v52+s3+$0x0], $0xffff;
	_ =	sdelay $0x2  }
0xa6: {  	v54 =	vadd.s32 v53, v35;
	_ =	sdelay $0x1  }
0xa7: {  	v36 =	vmul.f32 v36, v37;
	_ =	sdelay $0x1  }
0xa8: {  	[tilespmem:v58+s26+$0x0] =	vst.idx.msk $0xffff, v36  }
0xa9: {  	v36 =	vld.idx.msk [tilespmem:v54+s3+$0x0], $0xffff;
	_ =	sdelay $0x2  }
0xaa: {  	v55 =	vadd.s32 v33, v35;
	_ =	sdelay $0x1  }
0xab: {  	v36 =	vmul.f32 v36, v37;
	_ =	sdelay $0x1  }
0xac: {  	[tilespmem:v59+s26+$0x0] =	vst.idx.msk $0xffff, v36  }
0xad: {  	v36 =	vld.idx.msk [tilespmem:v55+s3+$0x0], $0xffff;
	_ =	sdelay $0x2  }
0xae: {  	v56 =	vadd.s32 v23, v35;
	_ =	sdelay $0x1  }
0xaf: {  	v36 =	vmul.f32 v36, v37;
	_ =	sdelay $0x1  }
0xb0: {  	[tilespmem:v60+s26+$0x0] =	vst.idx.msk $0xffff, v36  }
0xb1: {  	v36 =	vld.idx.msk [tilespmem:v56+s3+$0x0], $0xffff;
	_ =	sdelay $0x2  }
0xb2: {  	v57 =	vadd.s32 v0, v35;
	_ =	sdelay $0x1  }
0xb3: {  	v36 =	vmul.f32 v36, v37;
	_ =	sdelay $0x1  }
0xb4: {  	[tilespmem:v61+s26+$0x0] =	vst.idx.msk $0xffff, v36  }
0xb5: {  	v36 =	vld.idx.msk [tilespmem:v57+s3+$0x0], $0xffff;
	_ =	sdelay $0x2  }
0xb6: {  	v58 =	vadd.s32 v20, v35;
	_ =	sdelay $0x1  }
0xb7: {  	v36 =	vmul.f32 v36, v37;
	_ =	sdelay $0x1  }
0xb8: {  	[tilespmem:v62+s26+$0x0] =	vst.idx.msk $0xffff, v36  }
0xb9: {  	v36 =	vld.idx.msk [tilespmem:v58+s3+$0x0], $0xffff;
	_ =	sdelay $0x2  }
0xba: {  	v59 =	vadd.s32 v21, v35;
	_ =	sdelay $0x1  }
0xbb: {  	v36 =	vmul.f32 v36, v37;
	_ =	sdelay $0x1  }
0xbc: {  	[tilespmem:v63+s26+$0x0] =	vst.idx.msk $0xffff, v36  }
0xbd: {  	v36 =	vld.idx.msk [tilespmem:v59+s3+$0x0], $0xffff;
	_ =	sdelay $0x2  }
0xbe: {  	v60 =	vadd.s32 v22, v35;
	_ =	sdelay $0x1  }
0xbf: {  	v36 =	vmul.f32 v36, v37;
	_ =	sdelay $0x1  }
0xc0: {  	[tilespmem:v39+s26+$0x0] =	vst.idx.msk $0xffff, v36  }
0xc1: {  	v36 =	vld.idx.msk [tilespmem:v60+s3+$0x0], $0xffff;
	_ =	sdelay $0x1  }
0xc2: {  	s19 =	simm.s32 $0x2  }
0xc3: {  	v61 =	vadd.s32 v34, v35;
	v63 =	vor.u32 s19, v19  }
0xc4: {  	v24 =	vmovc v25;
	v25 =	vmov v26;
	v26 =	vmov v27;
	v35 =	vmul.u32 $0x90, v63  }
0xc5: {  	v27 =	vmovc v28;
	v44 =	vadd.s32 v18, v38;
	v28 =	vmovc v29;
	v62 =	vmul.f32 v36, v37;
	v36 =	vmul.u32 $0x110, v63  }
0xc6: {  	v29 =	vmovc v30;
	v30 =	vmovc v31;
	v31 =	vmov v32;
	v32 =	vmov v53;
	v38 =	vor.u32 v2, v35  }
0xc7: {  	v46 =	vshll.u32 v63, $0x3;
	v39 =	vor.u32 v1, v35;
	[tilespmem:v51+s26+$0x0] =	vst.idx.msk $0xffff, v62;
	v43 =	vor.u32 v1, v36  }
0xc8: {  	s9 =	simm.s32 $0x4;
	v42 =	vor.u32 v2, v36;
	v41 =	vadd.s32 v3, v36;
	v40 =	vadd.s32 v4, v36;
	v45 =	vld.idx.msk [tilespmem:v61+s3+$0x0], $0xffff  }
.LBB2_3:
0xc9: {  	_ =	sdelay $0x3  }
0xca: {  	v37 =	vmul.f32 v45, v37;
	_ =	sdelay $0x1  }
0xcb: {  	[tilespmem:v44+s26+$0x0] =	vst.idx.msk $0xffff, v37  }
0xcc: {  	v55 =	vadd.s32 v3, v35;
	v44 =	vld.idx.msk [tilespmem:v39+s23+$0x0], $0xffff  }
0xcd: {  	v43 =	vld.idx.msk [tilespmem:v43+s3+$0x0], $0xffff  }
0xce: {  	v54 =	vadd.s32 v4, v35;
	v37 =	vld.idx.msk [tilespmem:v38+s23+$0x0], $0xffff  }
0xcf: {  	v47 =	vadd.s32 v5, v36;
	v42 =	vld.idx.msk [tilespmem:v42+s3+$0x0], $0xffff  }
0xd0: {  	v53 =	vadd.s32 v5, v35;
	v41 =	vld.idx.msk [tilespmem:v41+s3+$0x0], $0xffff  }
0xd1: {  	v48 =	vadd.s32 v6, v36;
	v49 =	vld.idx.msk [tilespmem:v55+s23+$0x0], $0xffff  }
0xd2: {  	v52 =	vadd.s32 v6, v35;
	v40 =	vld.idx.msk [tilespmem:v40+s3+$0x0], $0xffff;
	v43 =	vmul.f32 v43, v44  }
0xd3: {  	v51 =	vadd.s32 v7, v35;
	v20 =	vld.idx.msk [tilespmem:v54+s23+$0x0], $0xffff  }
0xd4: {  	v45 =	vadd.s32 v7, v36;
	v44 =	vld.idx.msk [tilespmem:v47+s3+$0x0], $0xffff;
	v37 =	vmul.f32 v42, v37;
	v43 =	vadd.f32 $0.0e+00, v43  }
0xd5: {  	v56 =	vadd.s32 v8, v36;
	v47 =	vld.idx.msk [tilespmem:v53+s23+$0x0], $0xffff  }
0xd6: {  	v50 =	vadd.s32 v8, v35;
	v21 =	vld.idx.msk [tilespmem:v48+s3+$0x0], $0xffff;
	v41 =	vmul.f32 v41, v49;
	v37 =	vadd.f32 v37, v43  }
0xd7: {  	v22 =	vld.idx.msk [tilespmem:v52+s23+$0x0], $0xffff;
	v49 =	vadd.s32 v9, v35  }
0xd8: {  	v57 =	vadd.s32 v9, v36;
	v20 =	vmul.f32 v40, v20;
	v40 =	vld.idx.msk [tilespmem:v51+s23+$0x0], $0xffff;
	v37 =	vadd.f32 v41, v37  }
0xd9: {  	v58 =	vadd.s32 v10, v36;
	v43 =	vld.idx.msk [tilespmem:v45+s3+$0x0], $0xffff  }
0xda: {  	v48 =	vadd.s32 v10, v35;
	v42 =	vmul.f32 v44, v47;
	v41 =	vld.idx.msk [tilespmem:v56+s3+$0x0], $0xffff;
	v20 =	vadd.f32 v20, v37  }
0xdb: {  	v47 =	vadd.s32 v11, v35;
	v56 =	vld.idx.msk [tilespmem:v50+s23+$0x0], $0xffff  }
0xdc: {  	v59 =	vadd.s32 v11, v36;
	v21 =	vmul.f32 v21, v22;
	v22 =	vld.idx.msk [tilespmem:v49+s23+$0x0], $0xffff;
	v20 =	vadd.f32 v42, v20  }
0xdd: {  	v60 =	vadd.s32 v12, v36;
	v37 =	vld.idx.msk [tilespmem:v57+s3+$0x0], $0xffff  }
0xde: {  	v45 =	vadd.s32 v12, v35;
	v57 =	vld.idx.msk [tilespmem:v58+s3+$0x0], $0xffff;
	v40 =	vmul.f32 v43, v40;
	v20 =	vadd.f32 v21, v20  }
0xdf: {  	v61 =	vadd.s32 v13, v36;
	v58 =	vld.idx.msk [tilespmem:v48+s23+$0x0], $0xffff  }
0xe0: {  	v44 =	vadd.s32 v13, v35;
	v41 =	vmul.f32 v41, v56;
	v56 =	vld.idx.msk [tilespmem:v47+s23+$0x0], $0xffff;
	v20 =	vadd.f32 v40, v20  }
0xe1: {  	v43 =	vadd.s32 v14, v35;
	v21 =	vld.idx.msk [tilespmem:v59+s3+$0x0], $0xffff  }
0xe2: {  	v62 =	vadd.s32 v14, v36;
	v59 =	vld.idx.msk [tilespmem:v60+s3+$0x0], $0xffff;
	v22 =	vmul.f32 v37, v22;
	v20 =	vadd.f32 v41, v20  }
0xe3: {  	v63 =	vadd.s32 v15, v36;
	v37 =	vld.idx.msk [tilespmem:v45+s23+$0x0], $0xffff  }
0xe4: {  	v42 =	vadd.s32 v15, v35;
	v60 =	vld.idx.msk [tilespmem:v61+s3+$0x0], $0xffff;
	v40 =	vmul.f32 v57, v58;
	v20 =	vadd.f32 v22, v20  }
0xe5: {  	v0 =	vadd.s32 v16, v36;
	v61 =	vld.idx.msk [tilespmem:v44+s23+$0x0], $0xffff  }
0xe6: {  	v41 =	vadd.s32 v16, v35;
	v21 =	vmul.f32 v21, v56;
	v56 =	vld.idx.msk [tilespmem:v43+s23+$0x0], $0xffff;
	v20 =	vadd.f32 v40, v20  }
0xe7: {  	v19 =	vadd.s32 v17, v36;
	v22 =	vld.idx.msk [tilespmem:v62+s3+$0x0], $0xffff  }
0xe8: {  	v58 =	vld.idx.msk [tilespmem:v63+s3+$0x0], $0xffff;
	v37 =	vmul.f32 v59, v37;
	v40 =	vadd.s32 v17, v35;
	v20 =	vadd.f32 v21, v20  }
0xe9: {  	v59 =	vld.idx.msk [tilespmem:v42+s23+$0x0], $0xffff  }
0xea: {  	v0 =	vld.idx.msk [tilespmem:v0+s3+$0x0], $0xffff;
	v21 =	vmul.f32 v60, v61;
	v20 =	vadd.f32 v37, v20  }
0xeb: {  	v61 =	vld.idx.msk [tilespmem:v41+s23+$0x0], $0xffff  }
0xec: {  	v19 =	vld.idx.msk [tilespmem:v19+s3+$0x0], $0xffff;
	v62 =	vor.u32 v1, v46;
	v22 =	vmul.f32 v22, v56;
	v20 =	vadd.f32 v21, v20  }
0xed: {  	v63 =	vld.idx.msk [tilespmem:v40+s23+$0x0], $0xffff  }
0xee: {  	v21 =	vmul.f32 v58, v59;
	v20 =	vadd.f32 v22, v20;
	_ =	sdelay $0x1  }
0xef: {  	v0 =	vmul.f32 v0, v61;
	v20 =	vadd.f32 v21, v20  }
0xf0: {  	v22 =	vld.idx.msk [tilespmem:v62+s24+$0x0], $0xffff  }
0xf1: {  	v19 =	vmul.f32 v19, v63;
	v0 =	vadd.f32 v0, v20;
	_ =	sdelay $0x1  }
0xf2: {  	v0 =	vadd.f32 v19, v0;
	_ =	sdelay $0x1  }
0xf3: {  	v19 =	vadd.f32 $5.000000000e-01, v22;
	v0 =	vmul.f32 $5.000000000e-01, v0;
	_ =	sdelay $0x1  }
0xf4: {  	v0 =	vadd.f32 v0, v19;
	_ =	sdelay $0x1  }
0xf5: {  	v0 =	vmul.f32 $1.442695020e+00, v0;
	_ =	sdelay $0x1  }
0xf6: {  	(erf) = vpow2.f32 v0;
	_ =	sdelay $0x5  }
0xf7: {  	v0 =	vadd.s32 v18, v36;
	_ =	sdelay $0x2  }
0xf8: {  	v37 =	vpop (erf)  }
0xf9: {  	[tilespmem:v39+s26+$0x0] =	vst.idx.msk $0xffff, v37  }
0xfa: {  	v0 =	vld.idx.msk [tilespmem:v0+s3+$0x0], $0xffff;
	_ =	sdelay $0x2  }
0xfb: {  	v19 =	vadd.s32 v24, v36;
	_ =	sdelay $0x1  }
0xfc: {  	v0 =	vmul.f32 v37, v0;
	_ =	sdelay $0x1  }
0xfd: {  	[tilespmem:v38+s26+$0x0] =	vst.idx.msk $0xffff, v0  }
0xfe: {  	v0 =	vld.idx.msk [tilespmem:v19+s3+$0x0], $0xffff;
	_ =	sdelay $0x2  }
0xff: {  	v19 =	vadd.s32 v25, v36;
	_ =	sdelay $0x1  }
0x100: {  	v0 =	vmul.f32 v37, v0;
	_ =	sdelay $0x1  }
0x101: {  	[tilespmem:v55+s26+$0x0] =	vst.idx.msk $0xffff, v0  }
0x102: {  	v0 =	vld.idx.msk [tilespmem:v19+s3+$0x0], $0xffff;
	_ =	sdelay $0x2  }
0x103: {  	v19 =	vadd.s32 v26, v36;
	_ =	sdelay $0x1  }
0x104: {  	v0 =	vmul.f32 v0, v37;
	_ =	sdelay $0x1  }
0x105: {  	[tilespmem:v54+s26+$0x0] =	vst.idx.msk $0xffff, v0  }
0x106: {  	v0 =	vld.idx.msk [tilespmem:v19+s3+$0x0], $0xffff;
	_ =	sdelay $0x2  }
0x107: {  	v19 =	vadd.s32 v27, v36;
	_ =	sdelay $0x1  }
0x108: {  	v0 =	vmul.f32 v0, v37;
	_ =	sdelay $0x1  }
0x109: {  	[tilespmem:v53+s26+$0x0] =	vst.idx.msk $0xffff, v0  }
0x10a: {  	v0 =	vld.idx.msk [tilespmem:v19+s3+$0x0], $0xffff;
	_ =	sdelay $0x2  }
0x10b: {  	v19 =	vadd.s32 v28, v36;
	_ =	sdelay $0x1  }
0x10c: {  	v0 =	vmul.f32 v0, v37;
	_ =	sdelay $0x1  }
0x10d: {  	[tilespmem:v52+s26+$0x0] =	vst.idx.msk $0xffff, v0  }
0x10e: {  	v0 =	vld.idx.msk [tilespmem:v19+s3+$0x0], $0xffff;
	_ =	sdelay $0x2  }
0x10f: {  	v19 =	vadd.s32 v29, v36;
	_ =	sdelay $0x1  }
0x110: {  	v0 =	vmul.f32 v0, v37;
	_ =	sdelay $0x1  }
0x111: {  	[tilespmem:v51+s26+$0x0] =	vst.idx.msk $0xffff, v0  }
0x112: {  	v0 =	vld.idx.msk [tilespmem:v19+s3+$0x0], $0xffff;
	_ =	sdelay $0x2  }
0x113: {  	v19 =	vadd.s32 v30, v36;
	_ =	sdelay $0x1  }
0x114: {  	v0 =	vmul.f32 v0, v37;
	_ =	sdelay $0x1  }
0x115: {  	[tilespmem:v50+s26+$0x0] =	vst.idx.msk $0xffff, v0  }
0x116: {  	v0 =	vld.idx.msk [tilespmem:v19+s3+$0x0], $0xffff;
	_ =	sdelay $0x2  }
0x117: {  	v19 =	vadd.s32 v31, v36;
	_ =	sdelay $0x1  }
0x118: {  	v0 =	vmul.f32 v0, v37;
	_ =	sdelay $0x1  }
0x119: {  	[tilespmem:v49+s26+$0x0] =	vst.idx.msk $0xffff, v0  }
0x11a: {  	v0 =	vld.idx.msk [tilespmem:v19+s3+$0x0], $0xffff;
	_ =	sdelay $0x2  }
0x11b: {  	v19 =	vadd.s32 v32, v36;
	_ =	sdelay $0x1  }
0x11c: {  	v0 =	vmul.f32 v0, v37;
	_ =	sdelay $0x1  }
0x11d: {  	[tilespmem:v48+s26+$0x0] =	vst.idx.msk $0xffff, v0  }
0x11e: {  	v0 =	vld.idx.msk [tilespmem:v19+s3+$0x0], $0xffff;
	_ =	sdelay $0x2  }
0x11f: {  	v19 =	vadd.s32 v33, v36;
	_ =	sdelay $0x1  }
0x120: {  	v0 =	vmul.f32 v0, v37;
	_ =	sdelay $0x1  }
0x121: {  	[tilespmem:v47+s26+$0x0] =	vst.idx.msk $0xffff, v0  }
0x122: {  	v0 =	vld.idx.msk [tilespmem:v19+s3+$0x0], $0xffff;
	_ =	sdelay $0x2  }
0x123: {  	v19 =	vadd.s32 v23, v36;
	_ =	sdelay $0x1  }
0x124: {  	v0 =	vmul.f32 v0, v37;
	_ =	sdelay $0x1  }
0x125: {  	[tilespmem:v45+s26+$0x0] =	vst.idx.msk $0xffff, v0  }
0x126: {  	v0 =	vld.idx.msk [tilespmem:v19+s3+$0x0], $0xffff  }
0x127: {  	v19 =	vld [tilespmem:$0x1FFB0];
	_ =	sdelay $0x4  }
0x128: {  	v19 =	vadd.s32 v19, v36;
	_ =	sdelay $0x1  }
0x129: {  	v0 =	vmul.f32 v0, v37;
	_ =	sdelay $0x1  }
0x12a: {  	[tilespmem:v44+s26+$0x0] =	vst.idx.msk $0xffff, v0  }
0x12b: {  	v0 =	vld.idx.msk [tilespmem:v19+s3+$0x0], $0xffff  }
0x12c: {  	v19 =	vld [tilespmem:$0x1FFC0];
	_ =	sdelay $0x4  }
0x12d: {  	v19 =	vadd.s32 v19, v36;
	_ =	sdelay $0x1  }
0x12e: {  	v0 =	vmul.f32 v0, v37;
	_ =	sdelay $0x1  }
0x12f: {  	[tilespmem:v43+s26+$0x0] =	vst.idx.msk $0xffff, v0  }
0x130: {  	v0 =	vld.idx.msk [tilespmem:v19+s3+$0x0], $0xffff  }
0x131: {  	v19 =	vld [tilespmem:$0x1FFD0];
	_ =	sdelay $0x4  }
0x132: {  	v19 =	vadd.s32 v19, v36;
	_ =	sdelay $0x1  }
0x133: {  	v0 =	vmul.f32 v0, v37;
	_ =	sdelay $0x1  }
0x134: {  	[tilespmem:v42+s26+$0x0] =	vst.idx.msk $0xffff, v0  }
0x135: {  	v0 =	vld.idx.msk [tilespmem:v19+s3+$0x0], $0xffff  }
0x136: {  	v19 =	vld [tilespmem:$0x1FFE0];
	_ =	sdelay $0x4  }
0x137: {  	v19 =	vadd.s32 v19, v36;
	_ =	sdelay $0x1  }
0x138: {  	v0 =	vmul.f32 v0, v37;
	_ =	sdelay $0x1  }
0x139: {  	[tilespmem:v41+s26+$0x0] =	vst.idx.msk $0xffff, v0  }
0x13a: {  	v0 =	vld.idx.msk [tilespmem:v19+s3+$0x0], $0xffff;
	_ =	sdelay $0x4  }
0x13b: {  	v0 =	vmul.f32 v0, v37;
	_ =	sdelay $0x1  }
0x13c: {  	[tilespmem:v40+s26+$0x0] =	vst.idx.msk $0xffff, v0;
	v0 =	vld [tilespmem:$0x1FFA0];
	_ =	sdelay $0x3  }
0x13d: {  	p1 =	sne.s32 s9, $0x26;
	s10 =	smov.u32 s9;
	v19 =	vadd.s32 v34, v36  }
.Ltmp0:
0x13e: {  	v0 =	vor.u32 s10, v0;
	(pc) =	sbr.rel @p1 .LBB2_3-.Ltmp0, $4  }
0x13f: {  	v44 =	vadd.s32 v18, v35;
	v35 =	vmul.u32 $0x90, v0;
	v36 =	vmul.u32 $0x110, v0  }
0x140: {  	v46 =	vshll.u32 v0, $0x3  }
0x141: {  	v39 =	vor.u32 v1, v35;
	v43 =	vor.u32 v1, v36;
	v38 =	vor.u32 v2, v35  }
0x142: {  	s9 =	sadd.s32 $0x2, s9;
	v45 =	vld.idx.msk [tilespmem:v19+s3+$0x0], $0xffff;
	v42 =	vor.u32 v2, v36;
	v41 =	vadd.s32 v3, v36;
	v40 =	vadd.s32 v4, v36  }
0x143: {  	_ =	sdelay $0x3  }
0x144: {  	v0 =	vmul.f32 v45, v37;
	_ =	sdelay $0x1  }
0x145: {  	[tilespmem:v44+s26+$0x0] =	vst.idx.msk $0xffff, v0  }
0x146: {  	v0 =	vadd.s32 v3, v35;
	v19 =	vld.idx.msk [tilespmem:v39+s23+$0x0], $0xffff  }
0x147: {  	v20 =	vld.idx.msk [tilespmem:v43+s3+$0x0], $0xffff  }
0x148: {  	v22 =	vadd.s32 v4, v35;
	v21 =	vld.idx.msk [tilespmem:v38+s23+$0x0], $0xffff  }
0x149: {  	v59 =	vadd.s32 v5, v36;
	v42 =	vld.idx.msk [tilespmem:v42+s3+$0x0], $0xffff  }
0x14a: {  	v41 =	vld.idx.msk [tilespmem:v41+s3+$0x0], $0xffff;
	v43 =	vadd.s32 v5, v35  }
0x14b: {  	v60 =	vadd.s32 v6, v36;
	v62 =	vld.idx.msk [tilespmem:v0+s23+$0x0], $0xffff  }
0x14c: {  	v47 =	vadd.s32 v6, v35;
	v40 =	vld.idx.msk [tilespmem:v40+s3+$0x0], $0xffff;
	v19 =	vmul.f32 v20, v19  }
0x14d: {  	v49 =	vadd.s32 v7, v35;
	v48 =	vld.idx.msk [tilespmem:v22+s23+$0x0], $0xffff  }
0x14e: {  	v37 =	vld.idx.msk [tilespmem:v59+s3+$0x0], $0xffff;
	v20 =	vadd.s32 v7, v36;
	v21 =	vmul.f32 v42, v21;
	v19 =	vadd.f32 $0.0e+00, v19  }
0x14f: {  	v63 =	vadd.s32 v8, v36;
	v50 =	vld.idx.msk [tilespmem:v43+s23+$0x0], $0xffff  }
0x150: {  	v51 =	vadd.s32 v8, v35;
	v44 =	vld.idx.msk [tilespmem:v60+s3+$0x0], $0xffff;
	v41 =	vmul.f32 v41, v62;
	v19 =	vadd.f32 v21, v19  }
0x151: {  	v61 =	vmov v34;
	v52 =	vadd.s32 v9, v35;
	v34 =	vld.idx.msk [tilespmem:v47+s23+$0x0], $0xffff  }
0x152: {  	v58 =	vld.idx.msk [tilespmem:v49+s23+$0x0], $0xffff;
	v40 =	vmul.f32 v40, v48;
	v21 =	vadd.s32 v9, v36;
	v19 =	vadd.f32 v41, v19  }
0x153: {  	v53 =	vadd.s32 v10, v35;
	v20 =	vld.idx.msk [tilespmem:v20+s3+$0x0], $0xffff  }
0x154: {  	v57 =	vadd.s32 v10, v36;
	v42 =	vld.idx.msk [tilespmem:v63+s3+$0x0], $0xffff;
	v37 =	vmul.f32 v37, v50;
	v19 =	vadd.f32 v40, v19  }
0x155: {  	v59 =	vadd.s32 v11, v36;
	v62 =	vld.idx.msk [tilespmem:v51+s23+$0x0], $0xffff  }
0x156: {  	v54 =	vadd.s32 v11, v35;
	v44 =	vmul.f32 v44, v34;
	v63 =	vld.idx.msk [tilespmem:v52+s23+$0x0], $0xffff;
	v19 =	vadd.f32 v37, v19  }
0x157: {  	v55 =	vadd.s32 v12, v35;
	v21 =	vld.idx.msk [tilespmem:v21+s3+$0x0], $0xffff  }
0x158: {  	v60 =	vld.idx.msk [tilespmem:v53+s23+$0x0], $0xffff;
	v37 =	vadd.s32 v12, v36;
	v20 =	vmul.f32 v20, v58;
	v19 =	vadd.f32 v44, v19  }
0x159: {  	v56 =	vadd.s32 v13, v35;
	v41 =	vld.idx.msk [tilespmem:v57+s3+$0x0], $0xffff  }
0x15a: {  	v34 =	vadd.s32 v13, v36;
	v40 =	vld.idx.msk [tilespmem:v59+s3+$0x0], $0xffff;
	v42 =	vmul.f32 v42, v62;
	v19 =	vadd.f32 v20, v19  }
0x15b: {  	v57 =	vadd.s32 v14, v35;
	v62 =	vld.idx.msk [tilespmem:v54+s23+$0x0], $0xffff  }
0x15c: {  	v45 =	vld.idx.msk [tilespmem:v55+s23+$0x0], $0xffff;
	v20 =	vadd.s32 v14, v36;
	v21 =	vmul.f32 v21, v63;
	v19 =	vadd.f32 v42, v19  }
0x15d: {  	v58 =	vadd.s32 v15, v35;
	v37 =	vld.idx.msk [tilespmem:v37+s3+$0x0], $0xffff  }
0x15e: {  	v48 =	vld.idx.msk [tilespmem:v56+s23+$0x0], $0xffff;
	v41 =	vmul.f32 v41, v60;
	v63 =	vadd.s32 v15, v36;
	v19 =	vadd.f32 v21, v19  }
0x15f: {  	v59 =	vadd.s32 v16, v35;
	v44 =	vld.idx.msk [tilespmem:v34+s3+$0x0], $0xffff  }
0x160: {  	v50 =	vld.idx.msk [tilespmem:v57+s23+$0x0], $0xffff;
	v40 =	vmul.f32 v40, v62;
	v21 =	vadd.s32 v16, v36;
	v19 =	vadd.f32 v41, v19  }
0x161: {  	v34 =	vadd.s32 v17, v36;
	v20 =	vld.idx.msk [tilespmem:v20+s3+$0x0], $0xffff  }
0x162: {  	v60 =	vadd.s32 v17, v35;
	v62 =	vld.idx.msk [tilespmem:v58+s23+$0x0], $0xffff;
	v37 =	vmul.f32 v37, v45;
	v19 =	vadd.f32 v40, v19  }
0x163: {  	v42 =	vld.idx.msk [tilespmem:v63+s3+$0x0], $0xffff  }
0x164: {  	v44 =	vmul.f32 v44, v48;
	v63 =	vld.idx.msk [tilespmem:v59+s23+$0x0], $0xffff;
	v19 =	vadd.f32 v37, v19  }
0x165: {  	v21 =	vld.idx.msk [tilespmem:v21+s3+$0x0], $0xffff  }
0x166: {  	v41 =	vld.idx.msk [tilespmem:v34+s3+$0x0], $0xffff;
	v34 =	vor.u32 v1, v46;
	v20 =	vmul.f32 v20, v50;
	v19 =	vadd.f32 v44, v19  }
0x167: {  	v48 =	vld.idx.msk [tilespmem:v60+s23+$0x0], $0xffff  }
0x168: {  	v40 =	vmul.f32 v42, v62;
	v19 =	vadd.f32 v20, v19;
	_ =	sdelay $0x1  }
0x169: {  	v20 =	vmul.f32 v21, v63;
	v19 =	vadd.f32 v40, v19  }
0x16a: {  	v21 =	vld.idx.msk [tilespmem:v34+s24+$0x0], $0xffff  }
0x16b: {  	v50 =	vmul.f32 v41, v48;
	v19 =	vadd.f32 v20, v19;
	_ =	sdelay $0x1  }
0x16c: {  	v19 =	vadd.f32 v50, v19;
	_ =	sdelay $0x1  }
0x16d: {  	v20 =	vadd.f32 $5.000000000e-01, v21;
	v19 =	vmul.f32 $5.000000000e-01, v19;
	_ =	sdelay $0x1  }
0x16e: {  	v19 =	vadd.f32 v19, v20;
	_ =	sdelay $0x1  }
0x16f: {  	v19 =	vmul.f32 $1.442695020e+00, v19;
	_ =	sdelay $0x1  }
0x170: {  	(erf) = vpow2.f32 v19;
	_ =	sdelay $0x5  }
0x171: {  	v19 =	vadd.s32 v18, v36;
	_ =	sdelay $0x2  }
0x172: {  	v20 =	vpop (erf)  }
0x173: {  	[tilespmem:v39+s26+$0x0] =	vst.idx.msk $0xffff, v20  }
0x174: {  	v19 =	vld.idx.msk [tilespmem:v19+s3+$0x0], $0xffff;
	_ =	sdelay $0x2  }
0x175: {  	v21 =	vadd.s32 v24, v36;
	_ =	sdelay $0x1  }
0x176: {  	v19 =	vmul.f32 v20, v19;
	_ =	sdelay $0x1  }
0x177: {  	[tilespmem:v38+s26+$0x0] =	vst.idx.msk $0xffff, v19  }
0x178: {  	v19 =	vld.idx.msk [tilespmem:v21+s3+$0x0], $0xffff;
	_ =	sdelay $0x2  }
0x179: {  	v21 =	vadd.s32 v25, v36;
	_ =	sdelay $0x1  }
0x17a: {  	v19 =	vmul.f32 v20, v19;
	_ =	sdelay $0x1  }
0x17b: {  	[tilespmem:v0+s26+$0x0] =	vst.idx.msk $0xffff, v19  }
0x17c: {  	v0 =	vld.idx.msk [tilespmem:v21+s3+$0x0], $0xffff;
	_ =	sdelay $0x2  }
0x17d: {  	v19 =	vadd.s32 v26, v36;
	_ =	sdelay $0x1  }
0x17e: {  	v0 =	vmul.f32 v0, v20;
	_ =	sdelay $0x1  }
0x17f: {  	[tilespmem:v22+s26+$0x0] =	vst.idx.msk $0xffff, v0  }
0x180: {  	v0 =	vld.idx.msk [tilespmem:v19+s3+$0x0], $0xffff;
	_ =	sdelay $0x2  }
0x181: {  	v19 =	vadd.s32 v27, v36;
	_ =	sdelay $0x1  }
0x182: {  	v0 =	vmul.f32 v0, v20;
	_ =	sdelay $0x1  }
0x183: {  	[tilespmem:v43+s26+$0x0] =	vst.idx.msk $0xffff, v0  }
0x184: {  	v0 =	vld.idx.msk [tilespmem:v19+s3+$0x0], $0xffff;
	_ =	sdelay $0x2  }
0x185: {  	v19 =	vadd.s32 v28, v36;
	_ =	sdelay $0x1  }
0x186: {  	v0 =	vmul.f32 v0, v20;
	_ =	sdelay $0x1  }
0x187: {  	[tilespmem:v47+s26+$0x0] =	vst.idx.msk $0xffff, v0  }
0x188: {  	v0 =	vld.idx.msk [tilespmem:v19+s3+$0x0], $0xffff;
	_ =	sdelay $0x2  }
0x189: {  	v19 =	vadd.s32 v29, v36;
	_ =	sdelay $0x1  }
0x18a: {  	v0 =	vmul.f32 v0, v20;
	_ =	sdelay $0x1  }
0x18b: {  	[tilespmem:v49+s26+$0x0] =	vst.idx.msk $0xffff, v0  }
0x18c: {  	v0 =	vld.idx.msk [tilespmem:v19+s3+$0x0], $0xffff;
	_ =	sdelay $0x2  }
0x18d: {  	v19 =	vadd.s32 v30, v36;
	_ =	sdelay $0x1  }
0x18e: {  	v0 =	vmul.f32 v0, v20;
	_ =	sdelay $0x1  }
0x18f: {  	[tilespmem:v51+s26+$0x0] =	vst.idx.msk $0xffff, v0  }
0x190: {  	v0 =	vld.idx.msk [tilespmem:v19+s3+$0x0], $0xffff;
	_ =	sdelay $0x2  }
0x191: {  	v19 =	vadd.s32 v31, v36;
	_ =	sdelay $0x1  }
0x192: {  	v0 =	vmul.f32 v0, v20;
	_ =	sdelay $0x1  }
0x193: {  	[tilespmem:v52+s26+$0x0] =	vst.idx.msk $0xffff, v0  }
0x194: {  	v0 =	vld.idx.msk [tilespmem:v19+s3+$0x0], $0xffff;
	_ =	sdelay $0x2  }
0x195: {  	v19 =	vadd.s32 v32, v36;
	_ =	sdelay $0x1  }
0x196: {  	v0 =	vmul.f32 v0, v20;
	_ =	sdelay $0x1  }
0x197: {  	[tilespmem:v53+s26+$0x0] =	vst.idx.msk $0xffff, v0  }
0x198: {  	v0 =	vld.idx.msk [tilespmem:v19+s3+$0x0], $0xffff;
	_ =	sdelay $0x2  }
0x199: {  	v19 =	vadd.s32 v33, v36;
	_ =	sdelay $0x1  }
0x19a: {  	v0 =	vmul.f32 v0, v20;
	_ =	sdelay $0x1  }
0x19b: {  	[tilespmem:v54+s26+$0x0] =	vst.idx.msk $0xffff, v0  }
0x19c: {  	v0 =	vld.idx.msk [tilespmem:v19+s3+$0x0], $0xffff;
	_ =	sdelay $0x2  }
0x19d: {  	v19 =	vadd.s32 v23, v36;
	_ =	sdelay $0x1  }
0x19e: {  	v0 =	vmul.f32 v0, v20  }
0x19f: {  	v22 =	vld [tilespmem:$0x1FFB0]  }
0x1a0: {  	[tilespmem:v55+s26+$0x0] =	vst.idx.msk $0xffff, v0  }
0x1a1: {  	v0 =	vld.idx.msk [tilespmem:v19+s3+$0x0], $0xffff;
	_ =	sdelay $0x2  }
0x1a2: {  	v19 =	vadd.s32 v22, v36;
	_ =	sdelay $0x1  }
0x1a3: {  	v0 =	vmul.f32 v0, v20  }
0x1a4: {  	v62 =	vld [tilespmem:$0x1FFC0]  }
0x1a5: {  	[tilespmem:v56+s26+$0x0] =	vst.idx.msk $0xffff, v0  }
0x1a6: {  	v0 =	vld.idx.msk [tilespmem:v19+s3+$0x0], $0xffff;
	_ =	sdelay $0x2  }
0x1a7: {  	v19 =	vadd.s32 v62, v36;
	_ =	sdelay $0x1  }
0x1a8: {  	v0 =	vmul.f32 v0, v20  }
0x1a9: {  	v21 =	vld [tilespmem:$0x1FFD0]  }
0x1aa: {  	[tilespmem:v57+s26+$0x0] =	vst.idx.msk $0xffff, v0  }
0x1ab: {  	v0 =	vld.idx.msk [tilespmem:v19+s3+$0x0], $0xffff;
	_ =	sdelay $0x2  }
0x1ac: {  	v19 =	vadd.s32 v21, v36;
	_ =	sdelay $0x1  }
0x1ad: {  	v0 =	vmul.f32 v0, v20  }
0x1ae: {  	v63 =	vld [tilespmem:$0x1FFE0]  }
0x1af: {  	[tilespmem:v58+s26+$0x0] =	vst.idx.msk $0xffff, v0  }
0x1b0: {  	v0 =	vld.idx.msk [tilespmem:v19+s3+$0x0], $0xffff;
	_ =	sdelay $0x2  }
0x1b1: {  	v19 =	vadd.s32 v63, v36;
	_ =	sdelay $0x1  }
0x1b2: {  	v0 =	vmul.f32 v0, v20;
	_ =	sdelay $0x1  }
0x1b3: {  	[tilespmem:v59+s26+$0x0] =	vst.idx.msk $0xffff, v0  }
0x1b4: {  	v0 =	vld.idx.msk [tilespmem:v19+s3+$0x0], $0xffff;
	_ =	sdelay $0x2  }
0x1b5: {  	v19 =	vadd.s32 v61, v36;
	_ =	sdelay $0x1  }
0x1b6: {  	v0 =	vmul.f32 v0, v20;
	_ =	sdelay $0x1  }
0x1b7: {  	[tilespmem:v60+s26+$0x0] =	vst.idx.msk $0xffff, v0  }
0x1b8: {  	v0 =	vld.idx.msk [tilespmem:v19+s3+$0x0], $0xffff;
	_ =	sdelay $0x2  }
0x1b9: {  	s0 =	smul.u32 $0x500, s0;
	s30 =	sadd.s32 $0x1, s30;
	v19 =	vadd.s32 v18, v35  }
0x1ba: {  	s31 =	smul.u32 $0xA0, s31;
	p1 =	sne.s32 s30, $0xFA  }
.Ltmp1:
0x1bb: {  	v0 =	vmul.f32 v0, v20;
	(pc) =	sbr.rel @p1 .LBB2_2-.Ltmp1, $4  }
0x1bc: {  	s0 =	sshrl.u32 s0, $0x2;
	s3 =	sshrl.u32 s31, $0x2  }
0x1bd: {  	s0 =	sadd.s32 s3, s0  }
0x1be: {  	s0 =	sadd.s32 $0x9D80, s0;
	[tilespmem:v19+s26+$0x0] =	vst.idx.msk $0xffff, v0  }
0x1bf: {  	v20 =	vmov v62;
	v19 =	vld [tilespmem:$0x1FFA0];
	[spmem:s2] =	stream.indirect.scatter.add.f32 [tilespmem:s26], [sflag:$0x3], $0x90, s0, s22, $0xb8;
	v0 =	vmov v22;
	v22 =	vmov v63  }
0x1c0: {  	_ =	swait.ge [sflag:s28], $0x1680  }
0x1c1: {  	[sflag:s28] =	ssyncset.done $0x0  }
0x1c2: {  	[sflag:s28] =	ssyncadd.s32 $0xFFFFE980  }
0x1c3: {  	s0 =	simm.s32 @p0 $0x1FC4;
	[bflag:$0x0] =	sbarrier.arrive $0xFFFF  }
0x1c4: {  	[hbm:s14], [sflag:s0] =	dma.local @p0 [spmem:s16], $0x2D00  }
0x1c5: {  	s0 =	simm.s32 @p0 $0x4  }
0x1c6: {  	_ =	swait.ge @p0 [sflag:s0], $0x2D00  }
0x1c7: {  	s29 =	sadd.s32 $0x1, s29;
	[sflag:s0] =	ssyncset.done @p0 $0x0  }
0x1c8: {  	p1 =	sne.s32 s29, s15;
	[sflag:s0] =	ssyncadd.s32 @p0 $0xFFFFD300;
	s0 =	rddreg [dreg:$0x6]  }
0x1c9: {  	[hbm:s0], [sflag:s17] =	dma.local @!p0 [spmem:s18], $0x2BE0  }
.Ltmp2:
0x1ca: {  	_ = 	snop;
	(pc) =	sbr.rel @p1 .LBB2_1-.Ltmp2, $4  }
0x1cb: {  	s0 =	simm.s32 @!p0 $0x4  }
0x1cc: {  	_ =	swait.ge @!p0 [sflag:s0], $0x2BE0  }
0x1cd: {  	[sflag:s0] =	ssyncset.done @!p0 $0x0  }
0x1ce: {  	[sflag:s0] =	ssyncadd.s32 @!p0 $0xFFFFD420  }
0x1cf: {  	_ =	sfence.sel $0x180000  }
0x1d0: {  	[bflag:$0x0] =	sbarrier.arrive $0xFFFF  }
0x1d1: {  	_ =	strace $0x90000047  }
0x1d2: {  	s0 =	stileid.u32;
	[bflag:$0x2] =	sbarrier.arrive $0xFFFF  }
0x1d3: {  	p0 =	sne.s32 s0, $0x0;
	s0 =	rddreg [dreg:$0x3]  }
0x1d4: {  	s0 =	sadd.s32 @!p0 $0x100000, s0  }
0x1d5: {  	[sflag:s0] =	ssyncadd.tile.s32 @!p0 $0x1;
	_ =	shalt  }
.Lfunc_end2:
_tile_overlayer_lowered:
.L_overlay_start_2:
0x1d6: {  	(tag) =	ssettag $0x2  }
0x1d7: {  	s0 =	rddreg [dreg:$0x0];
	s2 =	stileid.u32  }
0x1d8: {  	s1 =	rddreg [dreg:$0x1];
	p0 =	sne.s32 s2, $0x0  }
0x1d9: {  	s3 =	rddreg [dreg:$0x2];
	[bflag:$0x3] =	sbarrier.arrive $0xFFFF;
	s2 =	simm.s32 @!p0 $0x1C04  }
0x1da: {  	[timem:s3], [sflag:s2] =	dma.local @!p0 [hbm:s0], s1  }
0x1db: {  	s0 =	simm.s32 @!p0 $0x4  }
0x1dc: {  	_ =	swait.ge @!p0 [sflag:s0], s1  }
0x1dd: {  	s1 =	ssub.s32 @!p0 $0x0, s1;
	[sflag:s0] =	ssyncset.done @!p0 $0x0  }
0x1de: {  	[sflag:s0] =	ssyncadd.s32 @!p0 s1  }
0x1df: {  	[bflag:$0x3] =	sbarrier.arrive $0xFFFF  }
0x1e0: {  	_ =	shalt  }

</sc_bundles>
